<compile_context>
chip_gen: v7x
topology: tpu7x:2x2x1
jax: 0.10.2.dev20260603
libtpu: 0.0.44.dev20260713+nightly
codegen_flags: <defaults>
</compile_context>

<pallas_src>
import functools

import jax
import jax.numpy as jnp
from jax import lax
from jax.experimental import pallas as pl
from jax.experimental.pallas import tpu as pltpu
from jax.experimental.pallas import tpu_sc as plsc

_VOCAB = 1000000
_EMBED = 64
_PAD = 128
_BATCH = 4096
_SEQ = 200
_NC, _NS = 2, 16
_NW = _NC * _NS
_BATW = _BATCH // _NW
_SPLITS = ((0, 104), (104, 96))
_NBUF = 4
_T = _BATW // _NBUF

_mesh = plsc.VectorSubcoreMesh(core_axis_name="c", subcore_axis_name="s")


@functools.partial(
    pl.kernel,
    mesh=_mesh,
    compiler_params=pltpu.CompilerParams(use_tc_tiling_on_sc=False),
    out_type=jax.ShapeDtypeStruct((_BATCH * _SEQ, _EMBED), jnp.float32),
    scratch_types=[
        pltpu.VMEM((_BATW, _SEQ), jnp.int32),
        pltpu.VMEM((_NBUF, 1, _SEQ, _PAD), jnp.float32),
    ] + [pltpu.SemaphoreType.DMA] * (2 * _NBUF),
)
def _gather_sc(idx_hbm, table_hbm, out_hbm, idx_v, rows_v, *sems):
    gsem = sems[:_NBUF]
    ssem = sems[_NBUF:]
    wid = lax.axis_index("s") * _NC + lax.axis_index("c")
    base = wid * _BATW
    pltpu.sync_copy(idx_hbm.at[pl.ds(base, _BATW)], idx_v)

    def issue_gather(s, b):
        for off, size in _SPLITS:
            pltpu.async_copy(
                table_hbm.at[idx_v.at[s, pl.ds(off, size)]],
                rows_v.at[b, 0, pl.ds(off, size)],
                gsem[b],
            )

    def wait_gather(b):
        for off, size in _SPLITS:
            pltpu.make_async_copy(
                table_hbm.at[idx_v.at[0, pl.ds(off, size)]],
                rows_v.at[b, 0, pl.ds(off, size)],
                gsem[b],
            ).wait()

    def scatter_pair(s, b):
        src = rows_v.at[b, 0, :, pl.ds(0, _EMBED)]
        dst = out_hbm.at[pl.ds((base + s) * _SEQ, _SEQ)]
        return src, dst

    def issue_scatter(s, b):
        src, dst = scatter_pair(s, b)
        pltpu.async_copy(src, dst, ssem[b])

    def wait_scatter(b):
        src, dst = scatter_pair(0, b)
        pltpu.make_async_copy(src, dst, ssem[b]).wait()

    def step(s, b, do_issue, do_wait_prev):
        pb = (b - 1) % _NBUF
        wait_gather(b)
        issue_scatter(s, b)
        if do_wait_prev:
            wait_scatter(pb)
        if do_issue:
            issue_gather(s + _NBUF - 1, pb)

    for b in range(_NBUF - 1):
        issue_gather(b, b)
    step(0, 0, True, False)
    for b in range(1, _NBUF):
        step(b, b, True, True)

    def body(t, carry):
        for b in range(_NBUF):
            step(t * _NBUF + b, b, True, True)
        return carry

    lax.fori_loop(1, _T - 1, body, 0)

    s0 = (_T - 1) * _NBUF
    step(s0, 0, True, True)
    for b in range(1, _NBUF):
        step(s0 + b, b, False, True)
    wait_scatter(_NBUF - 1)


def kernel(x, table):
    tpad = jnp.pad(table, ((0, 0), (0, _PAD - _EMBED)))
    out = _gather_sc(x.astype(jnp.int32), tpad)
    return out.reshape(_BATCH, _SEQ, _EMBED)

# --- scband reference (transcript-rebuilt; emitter-appended) ---
"""Pipeline reference for scband-net-8504035246516 (READ-ONLY COPY).

The authoritative reference and input builder live on the scoring server;
editing this copy changes nothing except your own understanding.
"""

import jax, jax.numpy as jnp
import numpy as np

VOCAB = 1000000
EMBED = 64
BATCH = 4096
SEQ = 200

def setup_inputs(seed: int = 0) -> dict:
    key = jax.random.key(seed)
    k_idx, k_tab = jax.random.split(key)
    x = jax.random.randint(k_idx, (BATCH, SEQ), 0, VOCAB, dtype=jnp.int64 if jax.config.jax_enable_x64 else jnp.int32)
    # embedding table, init like nn.Embedding: N(0,1)
    table = jax.random.normal(k_tab, (VOCAB, EMBED), dtype=jnp.float32)
    return {"x": x, "table": table}

def reference(x, table):
    # Net.forward: x = self.embedding(x)  -> gather rows of the embedding table
    # (the provided forward body ends at the embedding lookup; the hand-written
    #  LSTM has no forward, so the embedding output IS the module's computation)
    emb = jnp.take(table, x, axis=0)  # (BATCH, SEQ, EMBED)
    return emb

if __name__ == "__main__":
    import jax
    _d = setup_inputs()
    print(jax.jit(kernel)(*tuple(_d.values())))

</pallas_src>

<mosaic_0001>
#map = affine_map<(d0, d1) -> (0, 0)>
module attributes {stable_mosaic.version = 14 : i64} {
  func.func @_gather_sc(%arg0: i32, %arg1: i32, %arg2: memref<4096x200xi32, #tpu.memory_space<hbm>>, %arg3: memref<1000000x128xf32, #tpu.memory_space<hbm>>, %arg4: memref<819200x64xf32, #tpu.memory_space<hbm>>, %arg5: memref<128x200xi32, #tpu.memory_space<vmem>>, %arg6: memref<4x1x200x128xf32, #tpu.memory_space<vmem>>, %arg7: memref<!tpu.dma_semaphore, #tpu.memory_space<semaphore_mem>>, %arg8: memref<!tpu.dma_semaphore, #tpu.memory_space<semaphore_mem>>, %arg9: memref<!tpu.dma_semaphore, #tpu.memory_space<semaphore_mem>>, %arg10: memref<!tpu.dma_semaphore, #tpu.memory_space<semaphore_mem>>, %arg11: memref<!tpu.dma_semaphore, #tpu.memory_space<semaphore_mem>>, %arg12: memref<!tpu.dma_semaphore, #tpu.memory_space<semaphore_mem>>, %arg13: memref<!tpu.dma_semaphore, #tpu.memory_space<semaphore_mem>>, %arg14: memref<!tpu.dma_semaphore, #tpu.memory_space<semaphore_mem>>) attributes {dimension_semantics = [#tpu.dimension_semantics<core_parallel>, #tpu.dimension_semantics<subcore_parallel>], iteration_bounds = array<i64: 2, 16>, scalar_prefetch = 0 : i64, scratch_operands = 10 : i64, tpu.core_type = #tpu.core_type<sc_vector_subcore>, window_params = [{transform_indices = #map}, {transform_indices = #map}, {transform_indices = #map}]} {
    %mul3A = arith.constant 2 : i32
    %mul3A_0 = arith.muli %arg1, %mul3A : i32
    %add3A = arith.addi %mul3A_0, %arg0 : i32
    %mul3A_1 = arith.constant 128 : i32
    %mul3A_2 = arith.muli %add3A, %mul3A_1 : i32
    "tpu.region"() ({
      %run_scoped3A = tpu.sem_alloc : memref<!tpu.dma_semaphore, #tpu.memory_space<semaphore_mem>>
      %dma_start3A_710 = arith.constant 0 : i32
      %dma_start3A_711 = tpu.memref_slice %arg2[%mul3A_2, %dma_start3A_710] : memref<4096x200xi32, #tpu.memory_space<hbm>> -> memref<128x200xi32, #tpu.memory_space<hbm>>
      %dma_start3A_712 = arith.constant 0 : i32
      %dma_start3A_713 = tpu.memref_slice %arg2[%mul3A_2, %dma_start3A_712] : memref<4096x200xi32, #tpu.memory_space<hbm>> -> memref<128x200xi32, #tpu.memory_space<hbm>>
      tpu.enqueue_dma source(%dma_start3A_713 : memref<128x200xi32, #tpu.memory_space<hbm>>) target(%arg5 : memref<128x200xi32, #tpu.memory_space<vmem>>) target_semaphore(%run_scoped3A : memref<!tpu.dma_semaphore, #tpu.memory_space<semaphore_mem>>)
      %dma_wait3A_714 = arith.constant 0 : i32
      %dma_wait3A_715 = tpu.memref_slice %arg2[%mul3A_2, %dma_wait3A_714] : memref<4096x200xi32, #tpu.memory_space<hbm>> -> memref<128x200xi32, #tpu.memory_space<hbm>>
      %dma_wait3A_716 = arith.constant 0 : i32
      %dma_wait3A_717 = tpu.memref_slice %arg2[%mul3A_2, %dma_wait3A_716] : memref<4096x200xi32, #tpu.memory_space<hbm>> -> memref<128x200xi32, #tpu.memory_space<hbm>>
      tpu.wait_dma2 semaphore(%run_scoped3A : memref<!tpu.dma_semaphore, #tpu.memory_space<semaphore_mem>>) src(%dma_wait3A_717 : memref<128x200xi32, #tpu.memory_space<hbm>>) dst(%arg5 : memref<128x200xi32, #tpu.memory_space<vmem>>)
      tpu.yield
    }) : () -> ()
    %dma_start3A = arith.constant 0 : i32
    %dma_start3A_3 = arith.constant 0 : i32
    %dma_start3A_4 = arith.constant 0 : i32
    %dma_start3A_5 = arith.constant 0 : i32
    %dma_start3A_6 = arith.constant 0 : i32
    %dma_start3A_7 = tpu.memref_slice %arg6[%dma_start3A_3, %dma_start3A_4, %dma_start3A_5, %dma_start3A_6] : memref<4x1x200x128xf32, #tpu.memory_space<vmem>> -> memref<1x1x104x128xf32, #tpu.memory_space<vmem>>
    %dma_start3A_8 = tpu.memref_squeeze %dma_start3A_7 : memref<1x1x104x128xf32, #tpu.memory_space<vmem>> -> memref<104x128xf32, #tpu.memory_space<vmem>>
    %dma_start3A_9 = arith.constant 0 : i32
    %dma_start3A_10 = tpu.memref_slice %arg5[%dma_start3A, %dma_start3A_9] : memref<128x200xi32, #tpu.memory_space<vmem>> -> memref<1x104xi32, #tpu.memory_space<vmem>>
    %dma_start3A_11 = tpu.memref_squeeze %dma_start3A_10 : memref<1x104xi32, #tpu.memory_space<vmem>> -> memref<104xi32, #tpu.memory_space<vmem>>
    %dma_start3A_12 = arith.constant 0 : i32
    %dma_start3A_13 = arith.constant 0 : i32
    %dma_start3A_14 = tpu.memref_slice %arg3[%dma_start3A_12, %dma_start3A_13] : memref<1000000x128xf32, #tpu.memory_space<hbm>> -> memref<1000000x128xf32, #tpu.memory_space<hbm>>
    tpu.enqueue_indirect_dma source(%dma_start3A_14 : memref<1000000x128xf32, #tpu.memory_space<hbm>>) target(%dma_start3A_8 : memref<104x128xf32, #tpu.memory_space<vmem>>) offsets(%dma_start3A_11 : memref<104xi32, #tpu.memory_space<vmem>>) semaphore(%arg7 : memref<!tpu.dma_semaphore, #tpu.memory_space<semaphore_mem>>)
    %dma_start3A_15 = arith.constant 0 : i32
    %dma_start3A_16 = arith.constant 0 : i32
    %dma_start3A_17 = arith.constant 0 : i32
    %dma_start3A_18 = arith.constant 104 : i32
    %dma_start3A_19 = arith.constant 0 : i32
    %dma_start3A_20 = tpu.memref_slice %arg6[%dma_start3A_16, %dma_start3A_17, %dma_start3A_18, %dma_start3A_19] : memref<4x1x200x128xf32, #tpu.memory_space<vmem>> -> memref<1x1x96x128xf32, #tpu.memory_space<vmem>>
    %dma_start3A_21 = tpu.memref_squeeze %dma_start3A_20 : memref<1x1x96x128xf32, #tpu.memory_space<vmem>> -> memref<96x128xf32, #tpu.memory_space<vmem>>
    %dma_start3A_22 = arith.constant 104 : i32
    %dma_start3A_23 = tpu.memref_slice %arg5[%dma_start3A_15, %dma_start3A_22] : memref<128x200xi32, #tpu.memory_space<vmem>> -> memref<1x96xi32, #tpu.memory_space<vmem>>
    %dma_start3A_24 = tpu.memref_squeeze %dma_start3A_23 : memref<1x96xi32, #tpu.memory_space<vmem>> -> memref<96xi32, #tpu.memory_space<vmem>>
    %dma_start3A_25 = arith.constant 0 : i32
    %dma_start3A_26 = arith.constant 0 : i32
    %dma_start3A_27 = tpu.memref_slice %arg3[%dma_start3A_25, %dma_start3A_26] : memref<1000000x128xf32, #tpu.memory_space<hbm>> -> memref<1000000x128xf32, #tpu.memory_space<hbm>>
    tpu.enqueue_indirect_dma source(%dma_start3A_27 : memref<1000000x128xf32, #tpu.memory_space<hbm>>) target(%dma_start3A_21 : memref<96x128xf32, #tpu.memory_space<vmem>>) offsets(%dma_start3A_24 : memref<96xi32, #tpu.memory_space<vmem>>) semaphore(%arg7 : memref<!tpu.dma_semaphore, #tpu.memory_space<semaphore_mem>>)
    %dma_start3A_28 = arith.constant 1 : i32
    %dma_start3A_29 = arith.constant 1 : i32
    %dma_start3A_30 = arith.constant 0 : i32
    %dma_start3A_31 = arith.constant 0 : i32
    %dma_start3A_32 = arith.constant 0 : i32
    %dma_start3A_33 = tpu.memref_slice %arg6[%dma_start3A_29, %dma_start3A_30, %dma_start3A_31, %dma_start3A_32] : memref<4x1x200x128xf32, #tpu.memory_space<vmem>> -> memref<1x1x104x128xf32, #tpu.memory_space<vmem>>
    %dma_start3A_34 = tpu.memref_squeeze %dma_start3A_33 : memref<1x1x104x128xf32, #tpu.memory_space<vmem>> -> memref<104x128xf32, #tpu.memory_space<vmem>>
    %dma_start3A_35 = arith.constant 0 : i32
    %dma_start3A_36 = tpu.memref_slice %arg5[%dma_start3A_28, %dma_start3A_35] : memref<128x200xi32, #tpu.memory_space<vmem>> -> memref<1x104xi32, #tpu.memory_space<vmem>>
    %dma_start3A_37 = tpu.memref_squeeze %dma_start3A_36 : memref<1x104xi32, #tpu.memory_space<vmem>> -> memref<104xi32, #tpu.memory_space<vmem>>
    %dma_start3A_38 = arith.constant 0 : i32
    %dma_start3A_39 = arith.constant 0 : i32
    %dma_start3A_40 = tpu.memref_slice %arg3[%dma_start3A_38, %dma_start3A_39] : memref<1000000x128xf32, #tpu.memory_space<hbm>> -> memref<1000000x128xf32, #tpu.memory_space<hbm>>
    tpu.enqueue_indirect_dma source(%dma_start3A_40 : memref<1000000x128xf32, #tpu.memory_space<hbm>>) target(%dma_start3A_34 : memref<104x128xf32, #tpu.memory_space<vmem>>) offsets(%dma_start3A_37 : memref<104xi32, #tpu.memory_space<vmem>>) semaphore(%arg8 : memref<!tpu.dma_semaphore, #tpu.memory_space<semaphore_mem>>)
    %dma_start3A_41 = arith.constant 1 : i32
    %dma_start3A_42 = arith.constant 1 : i32
    %dma_start3A_43 = arith.constant 0 : i32
    %dma_start3A_44 = arith.constant 104 : i32
    %dma_start3A_45 = arith.constant 0 : i32
    %dma_start3A_46 = tpu.memref_slice %arg6[%dma_start3A_42, %dma_start3A_43, %dma_start3A_44, %dma_start3A_45] : memref<4x1x200x128xf32, #tpu.memory_space<vmem>> -> memref<1x1x96x128xf32, #tpu.memory_space<vmem>>
    %dma_start3A_47 = tpu.memref_squeeze %dma_start3A_46 : memref<1x1x96x128xf32, #tpu.memory_space<vmem>> -> memref<96x128xf32, #tpu.memory_space<vmem>>
    %dma_start3A_48 = arith.constant 104 : i32
    %dma_start3A_49 = tpu.memref_slice %arg5[%dma_start3A_41, %dma_start3A_48] : memref<128x200xi32, #tpu.memory_space<vmem>> -> memref<1x96xi32, #tpu.memory_space<vmem>>
    %dma_start3A_50 = tpu.memref_squeeze %dma_start3A_49 : memref<1x96xi32, #tpu.memory_space<vmem>> -> memref<96xi32, #tpu.memory_space<vmem>>
    %dma_start3A_51 = arith.constant 0 : i32
    %dma_start3A_52 = arith.constant 0 : i32
    %dma_start3A_53 = tpu.memref_slice %arg3[%dma_start3A_51, %dma_start3A_52] : memref<1000000x128xf32, #tpu.memory_space<hbm>> -> memref<1000000x128xf32, #tpu.memory_space<hbm>>
    tpu.enqueue_indirect_dma source(%dma_start3A_53 : memref<1000000x128xf32, #tpu.memory_space<hbm>>) target(%dma_start3A_47 : memref<96x128xf32, #tpu.memory_space<vmem>>) offsets(%dma_start3A_50 : memref<96xi32, #tpu.memory_space<vmem>>) semaphore(%arg8 : memref<!tpu.dma_semaphore, #tpu.memory_space<semaphore_mem>>)
    %dma_start3A_54 = arith.constant 2 : i32
    %dma_start3A_55 = arith.constant 2 : i32
    %dma_start3A_56 = arith.constant 0 : i32
    %dma_start3A_57 = arith.constant 0 : i32
    %dma_start3A_58 = arith.constant 0 : i32
    %dma_start3A_59 = tpu.memref_slice %arg6[%dma_start3A_55, %dma_start3A_56, %dma_start3A_57, %dma_start3A_58] : memref<4x1x200x128xf32, #tpu.memory_space<vmem>> -> memref<1x1x104x128xf32, #tpu.memory_space<vmem>>
    %dma_start3A_60 = tpu.memref_squeeze %dma_start3A_59 : memref<1x1x104x128xf32, #tpu.memory_space<vmem>> -> memref<104x128xf32, #tpu.memory_space<vmem>>
    %dma_start3A_61 = arith.constant 0 : i32
    %dma_start3A_62 = tpu.memref_slice %arg5[%dma_start3A_54, %dma_start3A_61] : memref<128x200xi32, #tpu.memory_space<vmem>> -> memref<1x104xi32, #tpu.memory_space<vmem>>
    %dma_start3A_63 = tpu.memref_squeeze %dma_start3A_62 : memref<1x104xi32, #tpu.memory_space<vmem>> -> memref<104xi32, #tpu.memory_space<vmem>>
    %dma_start3A_64 = arith.constant 0 : i32
    %dma_start3A_65 = arith.constant 0 : i32
    %dma_start3A_66 = tpu.memref_slice %arg3[%dma_start3A_64, %dma_start3A_65] : memref<1000000x128xf32, #tpu.memory_space<hbm>> -> memref<1000000x128xf32, #tpu.memory_space<hbm>>
    tpu.enqueue_indirect_dma source(%dma_start3A_66 : memref<1000000x128xf32, #tpu.memory_space<hbm>>) target(%dma_start3A_60 : memref<104x128xf32, #tpu.memory_space<vmem>>) offsets(%dma_start3A_63 : memref<104xi32, #tpu.memory_space<vmem>>) semaphore(%arg9 : memref<!tpu.dma_semaphore, #tpu.memory_space<semaphore_mem>>)
    %dma_start3A_67 = arith.constant 2 : i32
    %dma_start3A_68 = arith.constant 2 : i32
    %dma_start3A_69 = arith.constant 0 : i32
    %dma_start3A_70 = arith.constant 104 : i32
    %dma_start3A_71 = arith.constant 0 : i32
    %dma_start3A_72 = tpu.memref_slice %arg6[%dma_start3A_68, %dma_start3A_69, %dma_start3A_70, %dma_start3A_71] : memref<4x1x200x128xf32, #tpu.memory_space<vmem>> -> memref<1x1x96x128xf32, #tpu.memory_space<vmem>>
    %dma_start3A_73 = tpu.memref_squeeze %dma_start3A_72 : memref<1x1x96x128xf32, #tpu.memory_space<vmem>> -> memref<96x128xf32, #tpu.memory_space<vmem>>
    %dma_start3A_74 = arith.constant 104 : i32
    %dma_start3A_75 = tpu.memref_slice %arg5[%dma_start3A_67, %dma_start3A_74] : memref<128x200xi32, #tpu.memory_space<vmem>> -> memref<1x96xi32, #tpu.memory_space<vmem>>
    %dma_start3A_76 = tpu.memref_squeeze %dma_start3A_75 : memref<1x96xi32, #tpu.memory_space<vmem>> -> memref<96xi32, #tpu.memory_space<vmem>>
    %dma_start3A_77 = arith.constant 0 : i32
    %dma_start3A_78 = arith.constant 0 : i32
    %dma_start3A_79 = tpu.memref_slice %arg3[%dma_start3A_77, %dma_start3A_78] : memref<1000000x128xf32, #tpu.memory_space<hbm>> -> memref<1000000x128xf32, #tpu.memory_space<hbm>>
    tpu.enqueue_indirect_dma source(%dma_start3A_79 : memref<1000000x128xf32, #tpu.memory_space<hbm>>) target(%dma_start3A_73 : memref<96x128xf32, #tpu.memory_space<vmem>>) offsets(%dma_start3A_76 : memref<96xi32, #tpu.memory_space<vmem>>) semaphore(%arg9 : memref<!tpu.dma_semaphore, #tpu.memory_space<semaphore_mem>>)
    %dma_wait3A = arith.constant 0 : i32
    %dma_wait3A_80 = arith.constant 0 : i32
    %dma_wait3A_81 = arith.constant 0 : i32
    %dma_wait3A_82 = arith.constant 0 : i32
    %dma_wait3A_83 = arith.constant 0 : i32
    %dma_wait3A_84 = tpu.memref_slice %arg6[%dma_wait3A_80, %dma_wait3A_81, %dma_wait3A_82, %dma_wait3A_83] : memref<4x1x200x128xf32, #tpu.memory_space<vmem>> -> memref<1x1x104x128xf32, #tpu.memory_space<vmem>>
    %dma_wait3A_85 = tpu.memref_squeeze %dma_wait3A_84 : memref<1x1x104x128xf32, #tpu.memory_space<vmem>> -> memref<104x128xf32, #tpu.memory_space<vmem>>
    %dma_wait3A_86 = arith.constant 0 : i32
    %dma_wait3A_87 = tpu.memref_slice %arg5[%dma_wait3A, %dma_wait3A_86] : memref<128x200xi32, #tpu.memory_space<vmem>> -> memref<1x104xi32, #tpu.memory_space<vmem>>
    %dma_wait3A_88 = tpu.memref_squeeze %dma_wait3A_87 : memref<1x104xi32, #tpu.memory_space<vmem>> -> memref<104xi32, #tpu.memory_space<vmem>>
    %dma_wait3A_89 = arith.constant 0 : i32
    %dma_wait3A_90 = arith.constant 0 : i32
    %dma_wait3A_91 = tpu.memref_slice %arg3[%dma_wait3A_89, %dma_wait3A_90] : memref<1000000x128xf32, #tpu.memory_space<hbm>> -> memref<1000000x128xf32, #tpu.memory_space<hbm>>
    tpu.wait_indirect_dma semaphore(%arg7 : memref<!tpu.dma_semaphore, #tpu.memory_space<semaphore_mem>>) src(%dma_wait3A_91 : memref<1000000x128xf32, #tpu.memory_space<hbm>>) dst(%dma_wait3A_85 : memref<104x128xf32, #tpu.memory_space<vmem>>)
    %dma_wait3A_92 = arith.constant 0 : i32
    %dma_wait3A_93 = arith.constant 0 : i32
    %dma_wait3A_94 = arith.constant 0 : i32
    %dma_wait3A_95 = arith.constant 104 : i32
    %dma_wait3A_96 = arith.constant 0 : i32
    %dma_wait3A_97 = tpu.memref_slice %arg6[%dma_wait3A_93, %dma_wait3A_94, %dma_wait3A_95, %dma_wait3A_96] : memref<4x1x200x128xf32, #tpu.memory_space<vmem>> -> memref<1x1x96x128xf32, #tpu.memory_space<vmem>>
    %dma_wait3A_98 = tpu.memref_squeeze %dma_wait3A_97 : memref<1x1x96x128xf32, #tpu.memory_space<vmem>> -> memref<96x128xf32, #tpu.memory_space<vmem>>
    %dma_wait3A_99 = arith.constant 104 : i32
    %dma_wait3A_100 = tpu.memref_slice %arg5[%dma_wait3A_92, %dma_wait3A_99] : memref<128x200xi32, #tpu.memory_space<vmem>> -> memref<1x96xi32, #tpu.memory_space<vmem>>
    %dma_wait3A_101 = tpu.memref_squeeze %dma_wait3A_100 : memref<1x96xi32, #tpu.memory_space<vmem>> -> memref<96xi32, #tpu.memory_space<vmem>>
    %dma_wait3A_102 = arith.constant 0 : i32
    %dma_wait3A_103 = arith.constant 0 : i32
    %dma_wait3A_104 = tpu.memref_slice %arg3[%dma_wait3A_102, %dma_wait3A_103] : memref<1000000x128xf32, #tpu.memory_space<hbm>> -> memref<1000000x128xf32, #tpu.memory_space<hbm>>
    tpu.wait_indirect_dma semaphore(%arg7 : memref<!tpu.dma_semaphore, #tpu.memory_space<semaphore_mem>>) src(%dma_wait3A_104 : memref<1000000x128xf32, #tpu.memory_space<hbm>>) dst(%dma_wait3A_98 : memref<96x128xf32, #tpu.memory_space<vmem>>)
    %add3A_105 = arith.constant 0 : i32
    %add3A_106 = arith.addi %mul3A_2, %add3A_105 : i32
    %mul3A_107 = arith.constant 200 : i32
    %mul3A_108 = arith.muli %add3A_106, %mul3A_107 : i32
    %dma_start3A_109 = arith.constant 0 : i32
    %dma_start3A_110 = arith.constant 0 : i32
    %dma_start3A_111 = arith.constant 0 : i32
    %dma_start3A_112 = arith.constant 0 : i32
    %dma_start3A_113 = tpu.memref_slice %arg6[%dma_start3A_109, %dma_start3A_110, %dma_start3A_111, %dma_start3A_112] : memref<4x1x200x128xf32, #tpu.memory_space<vmem>> -> memref<1x1x200x64xf32, #tpu.memory_space<vmem>>
    %dma_start3A_114 = tpu.memref_squeeze %dma_start3A_113 : memref<1x1x200x64xf32, #tpu.memory_space<vmem>> -> memref<200x64xf32, #tpu.memory_space<vmem>>
    %dma_start3A_115 = arith.constant 0 : i32
    %dma_start3A_116 = tpu.memref_slice %arg4[%mul3A_108, %dma_start3A_115] : memref<819200x64xf32, #tpu.memory_space<hbm>> -> memref<200x64xf32, #tpu.memory_space<hbm>>
    %dma_start3A_117 = arith.constant 0 : i32
    %dma_start3A_118 = tpu.memref_slice %arg4[%mul3A_108, %dma_start3A_117] : memref<819200x64xf32, #tpu.memory_space<hbm>> -> memref<200x64xf32, #tpu.memory_space<hbm>>
    %dma_start3A_119 = arith.constant 0 : i32
    %dma_start3A_120 = arith.constant 0 : i32
    %dma_start3A_121 = tpu.memref_slice %arg6[%dma_start3A_109, %dma_start3A_110, %dma_start3A_119, %dma_start3A_120] : memref<4x1x200x128xf32, #tpu.memory_space<vmem>> -> memref<1x1x200x64xf32, #tpu.memory_space<vmem>>
    %dma_start3A_122 = tpu.memref_squeeze %dma_start3A_121 : memref<1x1x200x64xf32, #tpu.memory_space<vmem>> -> memref<200x64xf32, #tpu.memory_space<vmem>>
    tpu.enqueue_dma source(%dma_start3A_122 : memref<200x64xf32, #tpu.memory_space<vmem>>) target(%dma_start3A_118 : memref<200x64xf32, #tpu.memory_space<hbm>>) target_semaphore(%arg11 : memref<!tpu.dma_semaphore, #tpu.memory_space<semaphore_mem>>)
    %dma_start3A_123 = arith.constant 3 : i32
    %dma_start3A_124 = arith.constant 3 : i32
    %dma_start3A_125 = arith.constant 0 : i32
    %dma_start3A_126 = arith.constant 0 : i32
    %dma_start3A_127 = arith.constant 0 : i32
    %dma_start3A_128 = tpu.memref_slice %arg6[%dma_start3A_124, %dma_start3A_125, %dma_start3A_126, %dma_start3A_127] : memref<4x1x200x128xf32, #tpu.memory_space<vmem>> -> memref<1x1x104x128xf32, #tpu.memory_space<vmem>>
    %dma_start3A_129 = tpu.memref_squeeze %dma_start3A_128 : memref<1x1x104x128xf32, #tpu.memory_space<vmem>> -> memref<104x128xf32, #tpu.memory_space<vmem>>
    %dma_start3A_130 = arith.constant 0 : i32
    %dma_start3A_131 = tpu.memref_slice %arg5[%dma_start3A_123, %dma_start3A_130] : memref<128x200xi32, #tpu.memory_space<vmem>> -> memref<1x104xi32, #tpu.memory_space<vmem>>
    %dma_start3A_132 = tpu.memref_squeeze %dma_start3A_131 : memref<1x104xi32, #tpu.memory_space<vmem>> -> memref<104xi32, #tpu.memory_space<vmem>>
    %dma_start3A_133 = arith.constant 0 : i32
    %dma_start3A_134 = arith.constant 0 : i32
    %dma_start3A_135 = tpu.memref_slice %arg3[%dma_start3A_133, %dma_start3A_134] : memref<1000000x128xf32, #tpu.memory_space<hbm>> -> memref<1000000x128xf32, #tpu.memory_space<hbm>>
    tpu.enqueue_indirect_dma source(%dma_start3A_135 : memref<1000000x128xf32, #tpu.memory_space<hbm>>) target(%dma_start3A_129 : memref<104x128xf32, #tpu.memory_space<vmem>>) offsets(%dma_start3A_132 : memref<104xi32, #tpu.memory_space<vmem>>) semaphore(%arg10 : memref<!tpu.dma_semaphore, #tpu.memory_space<semaphore_mem>>)
    %dma_start3A_136 = arith.constant 3 : i32
    %dma_start3A_137 = arith.constant 3 : i32
    %dma_start3A_138 = arith.constant 0 : i32
    %dma_start3A_139 = arith.constant 104 : i32
    %dma_start3A_140 = arith.constant 0 : i32
    %dma_start3A_141 = tpu.memref_slice %arg6[%dma_start3A_137, %dma_start3A_138, %dma_start3A_139, %dma_start3A_140] : memref<4x1x200x128xf32, #tpu.memory_space<vmem>> -> memref<1x1x96x128xf32, #tpu.memory_space<vmem>>
    %dma_start3A_142 = tpu.memref_squeeze %dma_start3A_141 : memref<1x1x96x128xf32, #tpu.memory_space<vmem>> -> memref<96x128xf32, #tpu.memory_space<vmem>>
    %dma_start3A_143 = arith.constant 104 : i32
    %dma_start3A_144 = tpu.memref_slice %arg5[%dma_start3A_136, %dma_start3A_143] : memref<128x200xi32, #tpu.memory_space<vmem>> -> memref<1x96xi32, #tpu.memory_space<vmem>>
    %dma_start3A_145 = tpu.memref_squeeze %dma_start3A_144 : memref<1x96xi32, #tpu.memory_space<vmem>> -> memref<96xi32, #tpu.memory_space<vmem>>
    %dma_start3A_146 = arith.constant 0 : i32
    %dma_start3A_147 = arith.constant 0 : i32
    %dma_start3A_148 = tpu.memref_slice %arg3[%dma_start3A_146, %dma_start3A_147] : memref<1000000x128xf32, #tpu.memory_space<hbm>> -> memref<1000000x128xf32, #tpu.memory_space<hbm>>
    tpu.enqueue_indirect_dma source(%dma_start3A_148 : memref<1000000x128xf32, #tpu.memory_space<hbm>>) target(%dma_start3A_142 : memref<96x128xf32, #tpu.memory_space<vmem>>) offsets(%dma_start3A_145 : memref<96xi32, #tpu.memory_space<vmem>>) semaphore(%arg10 : memref<!tpu.dma_semaphore, #tpu.memory_space<semaphore_mem>>)
    %dma_wait3A_149 = arith.constant 0 : i32
    %dma_wait3A_150 = arith.constant 1 : i32
    %dma_wait3A_151 = arith.constant 0 : i32
    %dma_wait3A_152 = arith.constant 0 : i32
    %dma_wait3A_153 = arith.constant 0 : i32
    %dma_wait3A_154 = tpu.memref_slice %arg6[%dma_wait3A_150, %dma_wait3A_151, %dma_wait3A_152, %dma_wait3A_153] : memref<4x1x200x128xf32, #tpu.memory_space<vmem>> -> memref<1x1x104x128xf32, #tpu.memory_space<vmem>>
    %dma_wait3A_155 = tpu.memref_squeeze %dma_wait3A_154 : memref<1x1x104x128xf32, #tpu.memory_space<vmem>> -> memref<104x128xf32, #tpu.memory_space<vmem>>
    %dma_wait3A_156 = arith.constant 0 : i32
    %dma_wait3A_157 = tpu.memref_slice %arg5[%dma_wait3A_149, %dma_wait3A_156] : memref<128x200xi32, #tpu.memory_space<vmem>> -> memref<1x104xi32, #tpu.memory_space<vmem>>
    %dma_wait3A_158 = tpu.memref_squeeze %dma_wait3A_157 : memref<1x104xi32, #tpu.memory_space<vmem>> -> memref<104xi32, #tpu.memory_space<vmem>>
    %dma_wait3A_159 = arith.constant 0 : i32
    %dma_wait3A_160 = arith.constant 0 : i32
    %dma_wait3A_161 = tpu.memref_slice %arg3[%dma_wait3A_159, %dma_wait3A_160] : memref<1000000x128xf32, #tpu.memory_space<hbm>> -> memref<1000000x128xf32, #tpu.memory_space<hbm>>
    tpu.wait_indirect_dma semaphore(%arg8 : memref<!tpu.dma_semaphore, #tpu.memory_space<semaphore_mem>>) src(%dma_wait3A_161 : memref<1000000x128xf32, #tpu.memory_space<hbm>>) dst(%dma_wait3A_155 : memref<104x128xf32, #tpu.memory_space<vmem>>)
    %dma_wait3A_162 = arith.constant 0 : i32
    %dma_wait3A_163 = arith.constant 1 : i32
    %dma_wait3A_164 = arith.constant 0 : i32
    %dma_wait3A_165 = arith.constant 104 : i32
    %dma_wait3A_166 = arith.constant 0 : i32
    %dma_wait3A_167 = tpu.memref_slice %arg6[%dma_wait3A_163, %dma_wait3A_164, %dma_wait3A_165, %dma_wait3A_166] : memref<4x1x200x128xf32, #tpu.memory_space<vmem>> -> memref<1x1x96x128xf32, #tpu.memory_space<vmem>>
    %dma_wait3A_168 = tpu.memref_squeeze %dma_wait3A_167 : memref<1x1x96x128xf32, #tpu.memory_space<vmem>> -> memref<96x128xf32, #tpu.memory_space<vmem>>
    %dma_wait3A_169 = arith.constant 104 : i32
    %dma_wait3A_170 = tpu.memref_slice %arg5[%dma_wait3A_162, %dma_wait3A_169] : memref<128x200xi32, #tpu.memory_space<vmem>> -> memref<1x96xi32, #tpu.memory_space<vmem>>
    %dma_wait3A_171 = tpu.memref_squeeze %dma_wait3A_170 : memref<1x96xi32, #tpu.memory_space<vmem>> -> memref<96xi32, #tpu.memory_space<vmem>>
    %dma_wait3A_172 = arith.constant 0 : i32
    %dma_wait3A_173 = arith.constant 0 : i32
    %dma_wait3A_174 = tpu.memref_slice %arg3[%dma_wait3A_172, %dma_wait3A_173] : memref<1000000x128xf32, #tpu.memory_space<hbm>> -> memref<1000000x128xf32, #tpu.memory_space<hbm>>
    tpu.wait_indirect_dma semaphore(%arg8 : memref<!tpu.dma_semaphore, #tpu.memory_space<semaphore_mem>>) src(%dma_wait3A_174 : memref<1000000x128xf32, #tpu.memory_space<hbm>>) dst(%dma_wait3A_168 : memref<96x128xf32, #tpu.memory_space<vmem>>)
    %add3A_175 = arith.constant 1 : i32
    %add3A_176 = arith.addi %mul3A_2, %add3A_175 : i32
    %mul3A_177 = arith.constant 200 : i32
    %mul3A_178 = arith.muli %add3A_176, %mul3A_177 : i32
    %dma_start3A_179 = arith.constant 1 : i32
    %dma_start3A_180 = arith.constant 0 : i32
    %dma_start3A_181 = arith.constant 0 : i32
    %dma_start3A_182 = arith.constant 0 : i32
    %dma_start3A_183 = tpu.memref_slice %arg6[%dma_start3A_179, %dma_start3A_180, %dma_start3A_181, %dma_start3A_182] : memref<4x1x200x128xf32, #tpu.memory_space<vmem>> -> memref<1x1x200x64xf32, #tpu.memory_space<vmem>>
    %dma_start3A_184 = tpu.memref_squeeze %dma_start3A_183 : memref<1x1x200x64xf32, #tpu.memory_space<vmem>> -> memref<200x64xf32, #tpu.memory_space<vmem>>
    %dma_start3A_185 = arith.constant 0 : i32
    %dma_start3A_186 = tpu.memref_slice %arg4[%mul3A_178, %dma_start3A_185] : memref<819200x64xf32, #tpu.memory_space<hbm>> -> memref<200x64xf32, #tpu.memory_space<hbm>>
    %dma_start3A_187 = arith.constant 0 : i32
    %dma_start3A_188 = tpu.memref_slice %arg4[%mul3A_178, %dma_start3A_187] : memref<819200x64xf32, #tpu.memory_space<hbm>> -> memref<200x64xf32, #tpu.memory_space<hbm>>
    %dma_start3A_189 = arith.constant 0 : i32
    %dma_start3A_190 = arith.constant 0 : i32
    %dma_start3A_191 = tpu.memref_slice %arg6[%dma_start3A_179, %dma_start3A_180, %dma_start3A_189, %dma_start3A_190] : memref<4x1x200x128xf32, #tpu.memory_space<vmem>> -> memref<1x1x200x64xf32, #tpu.memory_space<vmem>>
    %dma_start3A_192 = tpu.memref_squeeze %dma_start3A_191 : memref<1x1x200x64xf32, #tpu.memory_space<vmem>> -> memref<200x64xf32, #tpu.memory_space<vmem>>
    tpu.enqueue_dma source(%dma_start3A_192 : memref<200x64xf32, #tpu.memory_space<vmem>>) target(%dma_start3A_188 : memref<200x64xf32, #tpu.memory_space<hbm>>) target_semaphore(%arg12 : memref<!tpu.dma_semaphore, #tpu.memory_space<semaphore_mem>>)
    %add3A_193 = arith.constant 0 : i32
    %add3A_194 = arith.addi %mul3A_2, %add3A_193 : i32
    %mul3A_195 = arith.constant 200 : i32
    %mul3A_196 = arith.muli %add3A_194, %mul3A_195 : i32
    %dma_wait3A_197 = arith.constant 0 : i32
    %dma_wait3A_198 = arith.constant 0 : i32
    %dma_wait3A_199 = arith.constant 0 : i32
    %dma_wait3A_200 = arith.constant 0 : i32
    %dma_wait3A_201 = tpu.memref_slice %arg6[%dma_wait3A_197, %dma_wait3A_198, %dma_wait3A_199, %dma_wait3A_200] : memref<4x1x200x128xf32, #tpu.memory_space<vmem>> -> memref<1x1x200x64xf32, #tpu.memory_space<vmem>>
    %dma_wait3A_202 = tpu.memref_squeeze %dma_wait3A_201 : memref<1x1x200x64xf32, #tpu.memory_space<vmem>> -> memref<200x64xf32, #tpu.memory_space<vmem>>
    %dma_wait3A_203 = arith.constant 0 : i32
    %dma_wait3A_204 = tpu.memref_slice %arg4[%mul3A_196, %dma_wait3A_203] : memref<819200x64xf32, #tpu.memory_space<hbm>> -> memref<200x64xf32, #tpu.memory_space<hbm>>
    %dma_wait3A_205 = arith.constant 0 : i32
    %dma_wait3A_206 = tpu.memref_slice %arg4[%mul3A_196, %dma_wait3A_205] : memref<819200x64xf32, #tpu.memory_space<hbm>> -> memref<200x64xf32, #tpu.memory_space<hbm>>
    %dma_wait3A_207 = arith.constant 0 : i32
    %dma_wait3A_208 = arith.constant 0 : i32
    %dma_wait3A_209 = tpu.memref_slice %arg6[%dma_wait3A_197, %dma_wait3A_198, %dma_wait3A_207, %dma_wait3A_208] : memref<4x1x200x128xf32, #tpu.memory_space<vmem>> -> memref<1x1x200x64xf32, #tpu.memory_space<vmem>>
    %dma_wait3A_210 = tpu.memref_squeeze %dma_wait3A_209 : memref<1x1x200x64xf32, #tpu.memory_space<vmem>> -> memref<200x64xf32, #tpu.memory_space<vmem>>
    tpu.wait_dma2 semaphore(%arg11 : memref<!tpu.dma_semaphore, #tpu.memory_space<semaphore_mem>>) src(%dma_wait3A_210 : memref<200x64xf32, #tpu.memory_space<vmem>>) dst(%dma_wait3A_206 : memref<200x64xf32, #tpu.memory_space<hbm>>)
    %dma_start3A_211 = arith.constant 4 : i32
    %dma_start3A_212 = arith.constant 0 : i32
    %dma_start3A_213 = arith.constant 0 : i32
    %dma_start3A_214 = arith.constant 0 : i32
    %dma_start3A_215 = arith.constant 0 : i32
    %dma_start3A_216 = tpu.memref_slice %arg6[%dma_start3A_212, %dma_start3A_213, %dma_start3A_214, %dma_start3A_215] : memref<4x1x200x128xf32, #tpu.memory_space<vmem>> -> memref<1x1x104x128xf32, #tpu.memory_space<vmem>>
    %dma_start3A_217 = tpu.memref_squeeze %dma_start3A_216 : memref<1x1x104x128xf32, #tpu.memory_space<vmem>> -> memref<104x128xf32, #tpu.memory_space<vmem>>
    %dma_start3A_218 = arith.constant 0 : i32
    %dma_start3A_219 = tpu.memref_slice %arg5[%dma_start3A_211, %dma_start3A_218] : memref<128x200xi32, #tpu.memory_space<vmem>> -> memref<1x104xi32, #tpu.memory_space<vmem>>
    %dma_start3A_220 = tpu.memref_squeeze %dma_start3A_219 : memref<1x104xi32, #tpu.memory_space<vmem>> -> memref<104xi32, #tpu.memory_space<vmem>>
    %dma_start3A_221 = arith.constant 0 : i32
    %dma_start3A_222 = arith.constant 0 : i32
    %dma_start3A_223 = tpu.memref_slice %arg3[%dma_start3A_221, %dma_start3A_222] : memref<1000000x128xf32, #tpu.memory_space<hbm>> -> memref<1000000x128xf32, #tpu.memory_space<hbm>>
    tpu.enqueue_indirect_dma source(%dma_start3A_223 : memref<1000000x128xf32, #tpu.memory_space<hbm>>) target(%dma_start3A_217 : memref<104x128xf32, #tpu.memory_space<vmem>>) offsets(%dma_start3A_220 : memref<104xi32, #tpu.memory_space<vmem>>) semaphore(%arg7 : memref<!tpu.dma_semaphore, #tpu.memory_space<semaphore_mem>>)
    %dma_start3A_224 = arith.constant 4 : i32
    %dma_start3A_225 = arith.constant 0 : i32
    %dma_start3A_226 = arith.constant 0 : i32
    %dma_start3A_227 = arith.constant 104 : i32
    %dma_start3A_228 = arith.constant 0 : i32
    %dma_start3A_229 = tpu.memref_slice %arg6[%dma_start3A_225, %dma_start3A_226, %dma_start3A_227, %dma_start3A_228] : memref<4x1x200x128xf32, #tpu.memory_space<vmem>> -> memref<1x1x96x128xf32, #tpu.memory_space<vmem>>
    %dma_start3A_230 = tpu.memref_squeeze %dma_start3A_229 : memref<1x1x96x128xf32, #tpu.memory_space<vmem>> -> memref<96x128xf32, #tpu.memory_space<vmem>>
    %dma_start3A_231 = arith.constant 104 : i32
    %dma_start3A_232 = tpu.memref_slice %arg5[%dma_start3A_224, %dma_start3A_231] : memref<128x200xi32, #tpu.memory_space<vmem>> -> memref<1x96xi32, #tpu.memory_space<vmem>>
    %dma_start3A_233 = tpu.memref_squeeze %dma_start3A_232 : memref<1x96xi32, #tpu.memory_space<vmem>> -> memref<96xi32, #tpu.memory_space<vmem>>
    %dma_start3A_234 = arith.constant 0 : i32
    %dma_start3A_235 = arith.constant 0 : i32
    %dma_start3A_236 = tpu.memref_slice %arg3[%dma_start3A_234, %dma_start3A_235] : memref<1000000x128xf32, #tpu.memory_space<hbm>> -> memref<1000000x128xf32, #tpu.memory_space<hbm>>
    tpu.enqueue_indirect_dma source(%dma_start3A_236 : memref<1000000x128xf32, #tpu.memory_space<hbm>>) target(%dma_start3A_230 : memref<96x128xf32, #tpu.memory_space<vmem>>) offsets(%dma_start3A_233 : memref<96xi32, #tpu.memory_space<vmem>>) semaphore(%arg7 : memref<!tpu.dma_semaphore, #tpu.memory_space<semaphore_mem>>)
    %dma_wait3A_237 = arith.constant 0 : i32
    %dma_wait3A_238 = arith.constant 2 : i32
    %dma_wait3A_239 = arith.constant 0 : i32
    %dma_wait3A_240 = arith.constant 0 : i32
    %dma_wait3A_241 = arith.constant 0 : i32
    %dma_wait3A_242 = tpu.memref_slice %arg6[%dma_wait3A_238, %dma_wait3A_239, %dma_wait3A_240, %dma_wait3A_241] : memref<4x1x200x128xf32, #tpu.memory_space<vmem>> -> memref<1x1x104x128xf32, #tpu.memory_space<vmem>>
    %dma_wait3A_243 = tpu.memref_squeeze %dma_wait3A_242 : memref<1x1x104x128xf32, #tpu.memory_space<vmem>> -> memref<104x128xf32, #tpu.memory_space<vmem>>
    %dma_wait3A_244 = arith.constant 0 : i32
    %dma_wait3A_245 = tpu.memref_slice %arg5[%dma_wait3A_237, %dma_wait3A_244] : memref<128x200xi32, #tpu.memory_space<vmem>> -> memref<1x104xi32, #tpu.memory_space<vmem>>
    %dma_wait3A_246 = tpu.memref_squeeze %dma_wait3A_245 : memref<1x104xi32, #tpu.memory_space<vmem>> -> memref<104xi32, #tpu.memory_space<vmem>>
    %dma_wait3A_247 = arith.constant 0 : i32
    %dma_wait3A_248 = arith.constant 0 : i32
    %dma_wait3A_249 = tpu.memref_slice %arg3[%dma_wait3A_247, %dma_wait3A_248] : memref<1000000x128xf32, #tpu.memory_space<hbm>> -> memref<1000000x128xf32, #tpu.memory_space<hbm>>
    tpu.wait_indirect_dma semaphore(%arg9 : memref<!tpu.dma_semaphore, #tpu.memory_space<semaphore_mem>>) src(%dma_wait3A_249 : memref<1000000x128xf32, #tpu.memory_space<hbm>>) dst(%dma_wait3A_243 : memref<104x128xf32, #tpu.memory_space<vmem>>)
    %dma_wait3A_250 = arith.constant 0 : i32
    %dma_wait3A_251 = arith.constant 2 : i32
    %dma_wait3A_252 = arith.constant 0 : i32
    %dma_wait3A_253 = arith.constant 104 : i32
    %dma_wait3A_254 = arith.constant 0 : i32
    %dma_wait3A_255 = tpu.memref_slice %arg6[%dma_wait3A_251, %dma_wait3A_252, %dma_wait3A_253, %dma_wait3A_254] : memref<4x1x200x128xf32, #tpu.memory_space<vmem>> -> memref<1x1x96x128xf32, #tpu.memory_space<vmem>>
    %dma_wait3A_256 = tpu.memref_squeeze %dma_wait3A_255 : memref<1x1x96x128xf32, #tpu.memory_space<vmem>> -> memref<96x128xf32, #tpu.memory_space<vmem>>
    %dma_wait3A_257 = arith.constant 104 : i32
    %dma_wait3A_258 = tpu.memref_slice %arg5[%dma_wait3A_250, %dma_wait3A_257] : memref<128x200xi32, #tpu.memory_space<vmem>> -> memref<1x96xi32, #tpu.memory_space<vmem>>
    %dma_wait3A_259 = tpu.memref_squeeze %dma_wait3A_258 : memref<1x96xi32, #tpu.memory_space<vmem>> -> memref<96xi32, #tpu.memory_space<vmem>>
    %dma_wait3A_260 = arith.constant 0 : i32
    %dma_wait3A_261 = arith.constant 0 : i32
    %dma_wait3A_262 = tpu.memref_slice %arg3[%dma_wait3A_260, %dma_wait3A_261] : memref<1000000x128xf32, #tpu.memory_space<hbm>> -> memref<1000000x128xf32, #tpu.memory_space<hbm>>
    tpu.wait_indirect_dma semaphore(%arg9 : memref<!tpu.dma_semaphore, #tpu.memory_space<semaphore_mem>>) src(%dma_wait3A_262 : memref<1000000x128xf32, #tpu.memory_space<hbm>>) dst(%dma_wait3A_256 : memref<96x128xf32, #tpu.memory_space<vmem>>)
    %add3A_263 = arith.constant 2 : i32
    %add3A_264 = arith.addi %mul3A_2, %add3A_263 : i32
    %mul3A_265 = arith.constant 200 : i32
    %mul3A_266 = arith.muli %add3A_264, %mul3A_265 : i32
    %dma_start3A_267 = arith.constant 2 : i32
    %dma_start3A_268 = arith.constant 0 : i32
    %dma_start3A_269 = arith.constant 0 : i32
    %dma_start3A_270 = arith.constant 0 : i32
    %dma_start3A_271 = tpu.memref_slice %arg6[%dma_start3A_267, %dma_start3A_268, %dma_start3A_269, %dma_start3A_270] : memref<4x1x200x128xf32, #tpu.memory_space<vmem>> -> memref<1x1x200x64xf32, #tpu.memory_space<vmem>>
    %dma_start3A_272 = tpu.memref_squeeze %dma_start3A_271 : memref<1x1x200x64xf32, #tpu.memory_space<vmem>> -> memref<200x64xf32, #tpu.memory_space<vmem>>
    %dma_start3A_273 = arith.constant 0 : i32
    %dma_start3A_274 = tpu.memref_slice %arg4[%mul3A_266, %dma_start3A_273] : memref<819200x64xf32, #tpu.memory_space<hbm>> -> memref<200x64xf32, #tpu.memory_space<hbm>>
    %dma_start3A_275 = arith.constant 0 : i32
    %dma_start3A_276 = tpu.memref_slice %arg4[%mul3A_266, %dma_start3A_275] : memref<819200x64xf32, #tpu.memory_space<hbm>> -> memref<200x64xf32, #tpu.memory_space<hbm>>
    %dma_start3A_277 = arith.constant 0 : i32
    %dma_start3A_278 = arith.constant 0 : i32
    %dma_start3A_279 = tpu.memref_slice %arg6[%dma_start3A_267, %dma_start3A_268, %dma_start3A_277, %dma_start3A_278] : memref<4x1x200x128xf32, #tpu.memory_space<vmem>> -> memref<1x1x200x64xf32, #tpu.memory_space<vmem>>
    %dma_start3A_280 = tpu.memref_squeeze %dma_start3A_279 : memref<1x1x200x64xf32, #tpu.memory_space<vmem>> -> memref<200x64xf32, #tpu.memory_space<vmem>>
    tpu.enqueue_dma source(%dma_start3A_280 : memref<200x64xf32, #tpu.memory_space<vmem>>) target(%dma_start3A_276 : memref<200x64xf32, #tpu.memory_space<hbm>>) target_semaphore(%arg13 : memref<!tpu.dma_semaphore, #tpu.memory_space<semaphore_mem>>)
    %add3A_281 = arith.constant 0 : i32
    %add3A_282 = arith.addi %mul3A_2, %add3A_281 : i32
    %mul3A_283 = arith.constant 200 : i32
    %mul3A_284 = arith.muli %add3A_282, %mul3A_283 : i32
    %dma_wait3A_285 = arith.constant 1 : i32
    %dma_wait3A_286 = arith.constant 0 : i32
    %dma_wait3A_287 = arith.constant 0 : i32
    %dma_wait3A_288 = arith.constant 0 : i32
    %dma_wait3A_289 = tpu.memref_slice %arg6[%dma_wait3A_285, %dma_wait3A_286, %dma_wait3A_287, %dma_wait3A_288] : memref<4x1x200x128xf32, #tpu.memory_space<vmem>> -> memref<1x1x200x64xf32, #tpu.memory_space<vmem>>
    %dma_wait3A_290 = tpu.memref_squeeze %dma_wait3A_289 : memref<1x1x200x64xf32, #tpu.memory_space<vmem>> -> memref<200x64xf32, #tpu.memory_space<vmem>>
    %dma_wait3A_291 = arith.constant 0 : i32
    %dma_wait3A_292 = tpu.memref_slice %arg4[%mul3A_284, %dma_wait3A_291] : memref<819200x64xf32, #tpu.memory_space<hbm>> -> memref<200x64xf32, #tpu.memory_space<hbm>>
    %dma_wait3A_293 = arith.constant 0 : i32
    %dma_wait3A_294 = tpu.memref_slice %arg4[%mul3A_284, %dma_wait3A_293] : memref<819200x64xf32, #tpu.memory_space<hbm>> -> memref<200x64xf32, #tpu.memory_space<hbm>>
    %dma_wait3A_295 = arith.constant 0 : i32
    %dma_wait3A_296 = arith.constant 0 : i32
    %dma_wait3A_297 = tpu.memref_slice %arg6[%dma_wait3A_285, %dma_wait3A_286, %dma_wait3A_295, %dma_wait3A_296] : memref<4x1x200x128xf32, #tpu.memory_space<vmem>> -> memref<1x1x200x64xf32, #tpu.memory_space<vmem>>
    %dma_wait3A_298 = tpu.memref_squeeze %dma_wait3A_297 : memref<1x1x200x64xf32, #tpu.memory_space<vmem>> -> memref<200x64xf32, #tpu.memory_space<vmem>>
    tpu.wait_dma2 semaphore(%arg12 : memref<!tpu.dma_semaphore, #tpu.memory_space<semaphore_mem>>) src(%dma_wait3A_298 : memref<200x64xf32, #tpu.memory_space<vmem>>) dst(%dma_wait3A_294 : memref<200x64xf32, #tpu.memory_space<hbm>>)
    %dma_start3A_299 = arith.constant 5 : i32
    %dma_start3A_300 = arith.constant 1 : i32
    %dma_start3A_301 = arith.constant 0 : i32
    %dma_start3A_302 = arith.constant 0 : i32
    %dma_start3A_303 = arith.constant 0 : i32
    %dma_start3A_304 = tpu.memref_slice %arg6[%dma_start3A_300, %dma_start3A_301, %dma_start3A_302, %dma_start3A_303] : memref<4x1x200x128xf32, #tpu.memory_space<vmem>> -> memref<1x1x104x128xf32, #tpu.memory_space<vmem>>
    %dma_start3A_305 = tpu.memref_squeeze %dma_start3A_304 : memref<1x1x104x128xf32, #tpu.memory_space<vmem>> -> memref<104x128xf32, #tpu.memory_space<vmem>>
    %dma_start3A_306 = arith.constant 0 : i32
    %dma_start3A_307 = tpu.memref_slice %arg5[%dma_start3A_299, %dma_start3A_306] : memref<128x200xi32, #tpu.memory_space<vmem>> -> memref<1x104xi32, #tpu.memory_space<vmem>>
    %dma_start3A_308 = tpu.memref_squeeze %dma_start3A_307 : memref<1x104xi32, #tpu.memory_space<vmem>> -> memref<104xi32, #tpu.memory_space<vmem>>
    %dma_start3A_309 = arith.constant 0 : i32
    %dma_start3A_310 = arith.constant 0 : i32
    %dma_start3A_311 = tpu.memref_slice %arg3[%dma_start3A_309, %dma_start3A_310] : memref<1000000x128xf32, #tpu.memory_space<hbm>> -> memref<1000000x128xf32, #tpu.memory_space<hbm>>
    tpu.enqueue_indirect_dma source(%dma_start3A_311 : memref<1000000x128xf32, #tpu.memory_space<hbm>>) target(%dma_start3A_305 : memref<104x128xf32, #tpu.memory_space<vmem>>) offsets(%dma_start3A_308 : memref<104xi32, #tpu.memory_space<vmem>>) semaphore(%arg8 : memref<!tpu.dma_semaphore, #tpu.memory_space<semaphore_mem>>)
    %dma_start3A_312 = arith.constant 5 : i32
    %dma_start3A_313 = arith.constant 1 : i32
    %dma_start3A_314 = arith.constant 0 : i32
    %dma_start3A_315 = arith.constant 104 : i32
    %dma_start3A_316 = arith.constant 0 : i32
    %dma_start3A_317 = tpu.memref_slice %arg6[%dma_start3A_313, %dma_start3A_314, %dma_start3A_315, %dma_start3A_316] : memref<4x1x200x128xf32, #tpu.memory_space<vmem>> -> memref<1x1x96x128xf32, #tpu.memory_space<vmem>>
    %dma_start3A_318 = tpu.memref_squeeze %dma_start3A_317 : memref<1x1x96x128xf32, #tpu.memory_space<vmem>> -> memref<96x128xf32, #tpu.memory_space<vmem>>
    %dma_start3A_319 = arith.constant 104 : i32
    %dma_start3A_320 = tpu.memref_slice %arg5[%dma_start3A_312, %dma_start3A_319] : memref<128x200xi32, #tpu.memory_space<vmem>> -> memref<1x96xi32, #tpu.memory_space<vmem>>
    %dma_start3A_321 = tpu.memref_squeeze %dma_start3A_320 : memref<1x96xi32, #tpu.memory_space<vmem>> -> memref<96xi32, #tpu.memory_space<vmem>>
    %dma_start3A_322 = arith.constant 0 : i32
    %dma_start3A_323 = arith.constant 0 : i32
    %dma_start3A_324 = tpu.memref_slice %arg3[%dma_start3A_322, %dma_start3A_323] : memref<1000000x128xf32, #tpu.memory_space<hbm>> -> memref<1000000x128xf32, #tpu.memory_space<hbm>>
    tpu.enqueue_indirect_dma source(%dma_start3A_324 : memref<1000000x128xf32, #tpu.memory_space<hbm>>) target(%dma_start3A_318 : memref<96x128xf32, #tpu.memory_space<vmem>>) offsets(%dma_start3A_321 : memref<96xi32, #tpu.memory_space<vmem>>) semaphore(%arg8 : memref<!tpu.dma_semaphore, #tpu.memory_space<semaphore_mem>>)
    %dma_wait3A_325 = arith.constant 0 : i32
    %dma_wait3A_326 = arith.constant 3 : i32
    %dma_wait3A_327 = arith.constant 0 : i32
    %dma_wait3A_328 = arith.constant 0 : i32
    %dma_wait3A_329 = arith.constant 0 : i32
    %dma_wait3A_330 = tpu.memref_slice %arg6[%dma_wait3A_326, %dma_wait3A_327, %dma_wait3A_328, %dma_wait3A_329] : memref<4x1x200x128xf32, #tpu.memory_space<vmem>> -> memref<1x1x104x128xf32, #tpu.memory_space<vmem>>
    %dma_wait3A_331 = tpu.memref_squeeze %dma_wait3A_330 : memref<1x1x104x128xf32, #tpu.memory_space<vmem>> -> memref<104x128xf32, #tpu.memory_space<vmem>>
    %dma_wait3A_332 = arith.constant 0 : i32
    %dma_wait3A_333 = tpu.memref_slice %arg5[%dma_wait3A_325, %dma_wait3A_332] : memref<128x200xi32, #tpu.memory_space<vmem>> -> memref<1x104xi32, #tpu.memory_space<vmem>>
    %dma_wait3A_334 = tpu.memref_squeeze %dma_wait3A_333 : memref<1x104xi32, #tpu.memory_space<vmem>> -> memref<104xi32, #tpu.memory_space<vmem>>
    %dma_wait3A_335 = arith.constant 0 : i32
    %dma_wait3A_336 = arith.constant 0 : i32
    %dma_wait3A_337 = tpu.memref_slice %arg3[%dma_wait3A_335, %dma_wait3A_336] : memref<1000000x128xf32, #tpu.memory_space<hbm>> -> memref<1000000x128xf32, #tpu.memory_space<hbm>>
    tpu.wait_indirect_dma semaphore(%arg10 : memref<!tpu.dma_semaphore, #tpu.memory_space<semaphore_mem>>) src(%dma_wait3A_337 : memref<1000000x128xf32, #tpu.memory_space<hbm>>) dst(%dma_wait3A_331 : memref<104x128xf32, #tpu.memory_space<vmem>>)
    %dma_wait3A_338 = arith.constant 0 : i32
    %dma_wait3A_339 = arith.constant 3 : i32
    %dma_wait3A_340 = arith.constant 0 : i32
    %dma_wait3A_341 = arith.constant 104 : i32
    %dma_wait3A_342 = arith.constant 0 : i32
    %dma_wait3A_343 = tpu.memref_slice %arg6[%dma_wait3A_339, %dma_wait3A_340, %dma_wait3A_341, %dma_wait3A_342] : memref<4x1x200x128xf32, #tpu.memory_space<vmem>> -> memref<1x1x96x128xf32, #tpu.memory_space<vmem>>
    %dma_wait3A_344 = tpu.memref_squeeze %dma_wait3A_343 : memref<1x1x96x128xf32, #tpu.memory_space<vmem>> -> memref<96x128xf32, #tpu.memory_space<vmem>>
    %dma_wait3A_345 = arith.constant 104 : i32
    %dma_wait3A_346 = tpu.memref_slice %arg5[%dma_wait3A_338, %dma_wait3A_345] : memref<128x200xi32, #tpu.memory_space<vmem>> -> memref<1x96xi32, #tpu.memory_space<vmem>>
    %dma_wait3A_347 = tpu.memref_squeeze %dma_wait3A_346 : memref<1x96xi32, #tpu.memory_space<vmem>> -> memref<96xi32, #tpu.memory_space<vmem>>
    %dma_wait3A_348 = arith.constant 0 : i32
    %dma_wait3A_349 = arith.constant 0 : i32
    %dma_wait3A_350 = tpu.memref_slice %arg3[%dma_wait3A_348, %dma_wait3A_349] : memref<1000000x128xf32, #tpu.memory_space<hbm>> -> memref<1000000x128xf32, #tpu.memory_space<hbm>>
    tpu.wait_indirect_dma semaphore(%arg10 : memref<!tpu.dma_semaphore, #tpu.memory_space<semaphore_mem>>) src(%dma_wait3A_350 : memref<1000000x128xf32, #tpu.memory_space<hbm>>) dst(%dma_wait3A_344 : memref<96x128xf32, #tpu.memory_space<vmem>>)
    %add3A_351 = arith.constant 3 : i32
    %add3A_352 = arith.addi %mul3A_2, %add3A_351 : i32
    %mul3A_353 = arith.constant 200 : i32
    %mul3A_354 = arith.muli %add3A_352, %mul3A_353 : i32
    %dma_start3A_355 = arith.constant 3 : i32
    %dma_start3A_356 = arith.constant 0 : i32
    %dma_start3A_357 = arith.constant 0 : i32
    %dma_start3A_358 = arith.constant 0 : i32
    %dma_start3A_359 = tpu.memref_slice %arg6[%dma_start3A_355, %dma_start3A_356, %dma_start3A_357, %dma_start3A_358] : memref<4x1x200x128xf32, #tpu.memory_space<vmem>> -> memref<1x1x200x64xf32, #tpu.memory_space<vmem>>
    %dma_start3A_360 = tpu.memref_squeeze %dma_start3A_359 : memref<1x1x200x64xf32, #tpu.memory_space<vmem>> -> memref<200x64xf32, #tpu.memory_space<vmem>>
    %dma_start3A_361 = arith.constant 0 : i32
    %dma_start3A_362 = tpu.memref_slice %arg4[%mul3A_354, %dma_start3A_361] : memref<819200x64xf32, #tpu.memory_space<hbm>> -> memref<200x64xf32, #tpu.memory_space<hbm>>
    %dma_start3A_363 = arith.constant 0 : i32
    %dma_start3A_364 = tpu.memref_slice %arg4[%mul3A_354, %dma_start3A_363] : memref<819200x64xf32, #tpu.memory_space<hbm>> -> memref<200x64xf32, #tpu.memory_space<hbm>>
    %dma_start3A_365 = arith.constant 0 : i32
    %dma_start3A_366 = arith.constant 0 : i32
    %dma_start3A_367 = tpu.memref_slice %arg6[%dma_start3A_355, %dma_start3A_356, %dma_start3A_365, %dma_start3A_366] : memref<4x1x200x128xf32, #tpu.memory_space<vmem>> -> memref<1x1x200x64xf32, #tpu.memory_space<vmem>>
    %dma_start3A_368 = tpu.memref_squeeze %dma_start3A_367 : memref<1x1x200x64xf32, #tpu.memory_space<vmem>> -> memref<200x64xf32, #tpu.memory_space<vmem>>
    tpu.enqueue_dma source(%dma_start3A_368 : memref<200x64xf32, #tpu.memory_space<vmem>>) target(%dma_start3A_364 : memref<200x64xf32, #tpu.memory_space<hbm>>) target_semaphore(%arg14 : memref<!tpu.dma_semaphore, #tpu.memory_space<semaphore_mem>>)
    %add3A_369 = arith.constant 0 : i32
    %add3A_370 = arith.addi %mul3A_2, %add3A_369 : i32
    %mul3A_371 = arith.constant 200 : i32
    %mul3A_372 = arith.muli %add3A_370, %mul3A_371 : i32
    %dma_wait3A_373 = arith.constant 2 : i32
    %dma_wait3A_374 = arith.constant 0 : i32
    %dma_wait3A_375 = arith.constant 0 : i32
    %dma_wait3A_376 = arith.constant 0 : i32
    %dma_wait3A_377 = tpu.memref_slice %arg6[%dma_wait3A_373, %dma_wait3A_374, %dma_wait3A_375, %dma_wait3A_376] : memref<4x1x200x128xf32, #tpu.memory_space<vmem>> -> memref<1x1x200x64xf32, #tpu.memory_space<vmem>>
    %dma_wait3A_378 = tpu.memref_squeeze %dma_wait3A_377 : memref<1x1x200x64xf32, #tpu.memory_space<vmem>> -> memref<200x64xf32, #tpu.memory_space<vmem>>
    %dma_wait3A_379 = arith.constant 0 : i32
    %dma_wait3A_380 = tpu.memref_slice %arg4[%mul3A_372, %dma_wait3A_379] : memref<819200x64xf32, #tpu.memory_space<hbm>> -> memref<200x64xf32, #tpu.memory_space<hbm>>
    %dma_wait3A_381 = arith.constant 0 : i32
    %dma_wait3A_382 = tpu.memref_slice %arg4[%mul3A_372, %dma_wait3A_381] : memref<819200x64xf32, #tpu.memory_space<hbm>> -> memref<200x64xf32, #tpu.memory_space<hbm>>
    %dma_wait3A_383 = arith.constant 0 : i32
    %dma_wait3A_384 = arith.constant 0 : i32
    %dma_wait3A_385 = tpu.memref_slice %arg6[%dma_wait3A_373, %dma_wait3A_374, %dma_wait3A_383, %dma_wait3A_384] : memref<4x1x200x128xf32, #tpu.memory_space<vmem>> -> memref<1x1x200x64xf32, #tpu.memory_space<vmem>>
    %dma_wait3A_386 = tpu.memref_squeeze %dma_wait3A_385 : memref<1x1x200x64xf32, #tpu.memory_space<vmem>> -> memref<200x64xf32, #tpu.memory_space<vmem>>
    tpu.wait_dma2 semaphore(%arg13 : memref<!tpu.dma_semaphore, #tpu.memory_space<semaphore_mem>>) src(%dma_wait3A_386 : memref<200x64xf32, #tpu.memory_space<vmem>>) dst(%dma_wait3A_382 : memref<200x64xf32, #tpu.memory_space<hbm>>)
    %dma_start3A_387 = arith.constant 6 : i32
    %dma_start3A_388 = arith.constant 2 : i32
    %dma_start3A_389 = arith.constant 0 : i32
    %dma_start3A_390 = arith.constant 0 : i32
    %dma_start3A_391 = arith.constant 0 : i32
    %dma_start3A_392 = tpu.memref_slice %arg6[%dma_start3A_388, %dma_start3A_389, %dma_start3A_390, %dma_start3A_391] : memref<4x1x200x128xf32, #tpu.memory_space<vmem>> -> memref<1x1x104x128xf32, #tpu.memory_space<vmem>>
    %dma_start3A_393 = tpu.memref_squeeze %dma_start3A_392 : memref<1x1x104x128xf32, #tpu.memory_space<vmem>> -> memref<104x128xf32, #tpu.memory_space<vmem>>
    %dma_start3A_394 = arith.constant 0 : i32
    %dma_start3A_395 = tpu.memref_slice %arg5[%dma_start3A_387, %dma_start3A_394] : memref<128x200xi32, #tpu.memory_space<vmem>> -> memref<1x104xi32, #tpu.memory_space<vmem>>
    %dma_start3A_396 = tpu.memref_squeeze %dma_start3A_395 : memref<1x104xi32, #tpu.memory_space<vmem>> -> memref<104xi32, #tpu.memory_space<vmem>>
    %dma_start3A_397 = arith.constant 0 : i32
    %dma_start3A_398 = arith.constant 0 : i32
    %dma_start3A_399 = tpu.memref_slice %arg3[%dma_start3A_397, %dma_start3A_398] : memref<1000000x128xf32, #tpu.memory_space<hbm>> -> memref<1000000x128xf32, #tpu.memory_space<hbm>>
    tpu.enqueue_indirect_dma source(%dma_start3A_399 : memref<1000000x128xf32, #tpu.memory_space<hbm>>) target(%dma_start3A_393 : memref<104x128xf32, #tpu.memory_space<vmem>>) offsets(%dma_start3A_396 : memref<104xi32, #tpu.memory_space<vmem>>) semaphore(%arg9 : memref<!tpu.dma_semaphore, #tpu.memory_space<semaphore_mem>>)
    %dma_start3A_400 = arith.constant 6 : i32
    %dma_start3A_401 = arith.constant 2 : i32
    %dma_start3A_402 = arith.constant 0 : i32
    %dma_start3A_403 = arith.constant 104 : i32
    %dma_start3A_404 = arith.constant 0 : i32
    %dma_start3A_405 = tpu.memref_slice %arg6[%dma_start3A_401, %dma_start3A_402, %dma_start3A_403, %dma_start3A_404] : memref<4x1x200x128xf32, #tpu.memory_space<vmem>> -> memref<1x1x96x128xf32, #tpu.memory_space<vmem>>
    %dma_start3A_406 = tpu.memref_squeeze %dma_start3A_405 : memref<1x1x96x128xf32, #tpu.memory_space<vmem>> -> memref<96x128xf32, #tpu.memory_space<vmem>>
    %dma_start3A_407 = arith.constant 104 : i32
    %dma_start3A_408 = tpu.memref_slice %arg5[%dma_start3A_400, %dma_start3A_407] : memref<128x200xi32, #tpu.memory_space<vmem>> -> memref<1x96xi32, #tpu.memory_space<vmem>>
    %dma_start3A_409 = tpu.memref_squeeze %dma_start3A_408 : memref<1x96xi32, #tpu.memory_space<vmem>> -> memref<96xi32, #tpu.memory_space<vmem>>
    %dma_start3A_410 = arith.constant 0 : i32
    %dma_start3A_411 = arith.constant 0 : i32
    %dma_start3A_412 = tpu.memref_slice %arg3[%dma_start3A_410, %dma_start3A_411] : memref<1000000x128xf32, #tpu.memory_space<hbm>> -> memref<1000000x128xf32, #tpu.memory_space<hbm>>
    tpu.enqueue_indirect_dma source(%dma_start3A_412 : memref<1000000x128xf32, #tpu.memory_space<hbm>>) target(%dma_start3A_406 : memref<96x128xf32, #tpu.memory_space<vmem>>) offsets(%dma_start3A_409 : memref<96xi32, #tpu.memory_space<vmem>>) semaphore(%arg9 : memref<!tpu.dma_semaphore, #tpu.memory_space<semaphore_mem>>)
    %scan3A = arith.constant 0 : i32
    %scan3A_413 = arith.constant 1 : i32
    %scan3A_414 = arith.constant 30 : i32
    %scan3A_415 = arith.addi %scan3A_413, %scan3A_414 : i32
    %scan3A_416 = arith.constant 1 : i32
    scf.for %scan3A_710 = %scan3A_413 to %scan3A_415 step %scan3A_416  : i32 {
      %mul3A_711 = arith.constant 4 : i32
      %mul3A_712 = arith.muli %scan3A_710, %mul3A_711 : i32
      %add3A_713 = arith.constant 0 : i32
      %add3A_714 = arith.addi %mul3A_712, %add3A_713 : i32
      %dma_wait3A_715 = arith.constant 0 : i32
      %dma_wait3A_716 = arith.constant 0 : i32
      %dma_wait3A_717 = arith.constant 0 : i32
      %dma_wait3A_718 = arith.constant 0 : i32
      %dma_wait3A_719 = arith.constant 0 : i32
      %dma_wait3A_720 = tpu.memref_slice %arg6[%dma_wait3A_716, %dma_wait3A_717, %dma_wait3A_718, %dma_wait3A_719] : memref<4x1x200x128xf32, #tpu.memory_space<vmem>> -> memref<1x1x104x128xf32, #tpu.memory_space<vmem>>
      %dma_wait3A_721 = tpu.memref_squeeze %dma_wait3A_720 : memref<1x1x104x128xf32, #tpu.memory_space<vmem>> -> memref<104x128xf32, #tpu.memory_space<vmem>>
      %dma_wait3A_722 = arith.constant 0 : i32
      %dma_wait3A_723 = tpu.memref_slice %arg5[%dma_wait3A_715, %dma_wait3A_722] : memref<128x200xi32, #tpu.memory_space<vmem>> -> memref<1x104xi32, #tpu.memory_space<vmem>>
      %dma_wait3A_724 = tpu.memref_squeeze %dma_wait3A_723 : memref<1x104xi32, #tpu.memory_space<vmem>> -> memref<104xi32, #tpu.memory_space<vmem>>
      %dma_wait3A_725 = arith.constant 0 : i32
      %dma_wait3A_726 = arith.constant 0 : i32
      %dma_wait3A_727 = tpu.memref_slice %arg3[%dma_wait3A_725, %dma_wait3A_726] : memref<1000000x128xf32, #tpu.memory_space<hbm>> -> memref<1000000x128xf32, #tpu.memory_space<hbm>>
      tpu.wait_indirect_dma semaphore(%arg7 : memref<!tpu.dma_semaphore, #tpu.memory_space<semaphore_mem>>) src(%dma_wait3A_727 : memref<1000000x128xf32, #tpu.memory_space<hbm>>) dst(%dma_wait3A_721 : memref<104x128xf32, #tpu.memory_space<vmem>>)
      %dma_wait3A_728 = arith.constant 0 : i32
      %dma_wait3A_729 = arith.constant 0 : i32
      %dma_wait3A_730 = arith.constant 0 : i32
      %dma_wait3A_731 = arith.constant 104 : i32
      %dma_wait3A_732 = arith.constant 0 : i32
      %dma_wait3A_733 = tpu.memref_slice %arg6[%dma_wait3A_729, %dma_wait3A_730, %dma_wait3A_731, %dma_wait3A_732] : memref<4x1x200x128xf32, #tpu.memory_space<vmem>> -> memref<1x1x96x128xf32, #tpu.memory_space<vmem>>
      %dma_wait3A_734 = tpu.memref_squeeze %dma_wait3A_733 : memref<1x1x96x128xf32, #tpu.memory_space<vmem>> -> memref<96x128xf32, #tpu.memory_space<vmem>>
      %dma_wait3A_735 = arith.constant 104 : i32
      %dma_wait3A_736 = tpu.memref_slice %arg5[%dma_wait3A_728, %dma_wait3A_735] : memref<128x200xi32, #tpu.memory_space<vmem>> -> memref<1x96xi32, #tpu.memory_space<vmem>>
      %dma_wait3A_737 = tpu.memref_squeeze %dma_wait3A_736 : memref<1x96xi32, #tpu.memory_space<vmem>> -> memref<96xi32, #tpu.memory_space<vmem>>
      %dma_wait3A_738 = arith.constant 0 : i32
      %dma_wait3A_739 = arith.constant 0 : i32
      %dma_wait3A_740 = tpu.memref_slice %arg3[%dma_wait3A_738, %dma_wait3A_739] : memref<1000000x128xf32, #tpu.memory_space<hbm>> -> memref<1000000x128xf32, #tpu.memory_space<hbm>>
      tpu.wait_indirect_dma semaphore(%arg7 : memref<!tpu.dma_semaphore, #tpu.memory_space<semaphore_mem>>) src(%dma_wait3A_740 : memref<1000000x128xf32, #tpu.memory_space<hbm>>) dst(%dma_wait3A_734 : memref<96x128xf32, #tpu.memory_space<vmem>>)
      %add3A_741 = arith.addi %mul3A_2, %add3A_714 : i32
      %mul3A_742 = arith.constant 200 : i32
      %mul3A_743 = arith.muli %add3A_741, %mul3A_742 : i32
      %dma_start3A_744 = arith.constant 0 : i32
      %dma_start3A_745 = arith.constant 0 : i32
      %dma_start3A_746 = arith.constant 0 : i32
      %dma_start3A_747 = arith.constant 0 : i32
      %dma_start3A_748 = tpu.memref_slice %arg6[%dma_start3A_744, %dma_start3A_745, %dma_start3A_746, %dma_start3A_747] : memref<4x1x200x128xf32, #tpu.memory_space<vmem>> -> memref<1x1x200x64xf32, #tpu.memory_space<vmem>>
      %dma_start3A_749 = tpu.memref_squeeze %dma_start3A_748 : memref<1x1x200x64xf32, #tpu.memory_space<vmem>> -> memref<200x64xf32, #tpu.memory_space<vmem>>
      %dma_start3A_750 = arith.constant 0 : i32
      %dma_start3A_751 = tpu.memref_slice %arg4[%mul3A_743, %dma_start3A_750] : memref<819200x64xf32, #tpu.memory_space<hbm>> -> memref<200x64xf32, #tpu.memory_space<hbm>>
      %dma_start3A_752 = arith.constant 0 : i32
      %dma_start3A_753 = tpu.memref_slice %arg4[%mul3A_743, %dma_start3A_752] : memref<819200x64xf32, #tpu.memory_space<hbm>> -> memref<200x64xf32, #tpu.memory_space<hbm>>
      %dma_start3A_754 = arith.constant 0 : i32
      %dma_start3A_755 = arith.constant 0 : i32
      %dma_start3A_756 = tpu.memref_slice %arg6[%dma_start3A_744, %dma_start3A_745, %dma_start3A_754, %dma_start3A_755] : memref<4x1x200x128xf32, #tpu.memory_space<vmem>> -> memref<1x1x200x64xf32, #tpu.memory_space<vmem>>
      %dma_start3A_757 = tpu.memref_squeeze %dma_start3A_756 : memref<1x1x200x64xf32, #tpu.memory_space<vmem>> -> memref<200x64xf32, #tpu.memory_space<vmem>>
      tpu.enqueue_dma source(%dma_start3A_757 : memref<200x64xf32, #tpu.memory_space<vmem>>) target(%dma_start3A_753 : memref<200x64xf32, #tpu.memory_space<hbm>>) target_semaphore(%arg11 : memref<!tpu.dma_semaphore, #tpu.memory_space<semaphore_mem>>)
      %add3A_758 = arith.constant 0 : i32
      %add3A_759 = arith.addi %mul3A_2, %add3A_758 : i32
      %mul3A_760 = arith.constant 200 : i32
      %mul3A_761 = arith.muli %add3A_759, %mul3A_760 : i32
      %dma_wait3A_762 = arith.constant 3 : i32
      %dma_wait3A_763 = arith.constant 0 : i32
      %dma_wait3A_764 = arith.constant 0 : i32
      %dma_wait3A_765 = arith.constant 0 : i32
      %dma_wait3A_766 = tpu.memref_slice %arg6[%dma_wait3A_762, %dma_wait3A_763, %dma_wait3A_764, %dma_wait3A_765] : memref<4x1x200x128xf32, #tpu.memory_space<vmem>> -> memref<1x1x200x64xf32, #tpu.memory_space<vmem>>
      %dma_wait3A_767 = tpu.memref_squeeze %dma_wait3A_766 : memref<1x1x200x64xf32, #tpu.memory_space<vmem>> -> memref<200x64xf32, #tpu.memory_space<vmem>>
      %dma_wait3A_768 = arith.constant 0 : i32
      %dma_wait3A_769 = tpu.memref_slice %arg4[%mul3A_761, %dma_wait3A_768] : memref<819200x64xf32, #tpu.memory_space<hbm>> -> memref<200x64xf32, #tpu.memory_space<hbm>>
      %dma_wait3A_770 = arith.constant 0 : i32
      %dma_wait3A_771 = tpu.memref_slice %arg4[%mul3A_761, %dma_wait3A_770] : memref<819200x64xf32, #tpu.memory_space<hbm>> -> memref<200x64xf32, #tpu.memory_space<hbm>>
      %dma_wait3A_772 = arith.constant 0 : i32
      %dma_wait3A_773 = arith.constant 0 : i32
      %dma_wait3A_774 = tpu.memref_slice %arg6[%dma_wait3A_762, %dma_wait3A_763, %dma_wait3A_772, %dma_wait3A_773] : memref<4x1x200x128xf32, #tpu.memory_space<vmem>> -> memref<1x1x200x64xf32, #tpu.memory_space<vmem>>
      %dma_wait3A_775 = tpu.memref_squeeze %dma_wait3A_774 : memref<1x1x200x64xf32, #tpu.memory_space<vmem>> -> memref<200x64xf32, #tpu.memory_space<vmem>>
      tpu.wait_dma2 semaphore(%arg14 : memref<!tpu.dma_semaphore, #tpu.memory_space<semaphore_mem>>) src(%dma_wait3A_775 : memref<200x64xf32, #tpu.memory_space<vmem>>) dst(%dma_wait3A_771 : memref<200x64xf32, #tpu.memory_space<hbm>>)
      %add3A_776 = arith.constant 4 : i32
      %add3A_777 = arith.addi %add3A_714, %add3A_776 : i32
      %sub3A = arith.constant 1 : i32
      %sub3A_778 = arith.subi %add3A_777, %sub3A : i32
      %dma_start3A_779 = arith.constant 3 : i32
      %dma_start3A_780 = arith.constant 0 : i32
      %dma_start3A_781 = arith.constant 0 : i32
      %dma_start3A_782 = arith.constant 0 : i32
      %dma_start3A_783 = tpu.memref_slice %arg6[%dma_start3A_779, %dma_start3A_780, %dma_start3A_781, %dma_start3A_782] : memref<4x1x200x128xf32, #tpu.memory_space<vmem>> -> memref<1x1x104x128xf32, #tpu.memory_space<vmem>>
      %dma_start3A_784 = tpu.memref_squeeze %dma_start3A_783 : memref<1x1x104x128xf32, #tpu.memory_space<vmem>> -> memref<104x128xf32, #tpu.memory_space<vmem>>
      %dma_start3A_785 = arith.constant 0 : i32
      %dma_start3A_786 = tpu.memref_slice %arg5[%sub3A_778, %dma_start3A_785] : memref<128x200xi32, #tpu.memory_space<vmem>> -> memref<1x104xi32, #tpu.memory_space<vmem>>
      %dma_start3A_787 = tpu.memref_squeeze %dma_start3A_786 : memref<1x104xi32, #tpu.memory_space<vmem>> -> memref<104xi32, #tpu.memory_space<vmem>>
      %dma_start3A_788 = arith.constant 0 : i32
      %dma_start3A_789 = arith.constant 0 : i32
      %dma_start3A_790 = tpu.memref_slice %arg3[%dma_start3A_788, %dma_start3A_789] : memref<1000000x128xf32, #tpu.memory_space<hbm>> -> memref<1000000x128xf32, #tpu.memory_space<hbm>>
      tpu.enqueue_indirect_dma source(%dma_start3A_790 : memref<1000000x128xf32, #tpu.memory_space<hbm>>) target(%dma_start3A_784 : memref<104x128xf32, #tpu.memory_space<vmem>>) offsets(%dma_start3A_787 : memref<104xi32, #tpu.memory_space<vmem>>) semaphore(%arg10 : memref<!tpu.dma_semaphore, #tpu.memory_space<semaphore_mem>>)
      %dma_start3A_791 = arith.constant 3 : i32
      %dma_start3A_792 = arith.constant 0 : i32
      %dma_start3A_793 = arith.constant 104 : i32
      %dma_start3A_794 = arith.constant 0 : i32
      %dma_start3A_795 = tpu.memref_slice %arg6[%dma_start3A_791, %dma_start3A_792, %dma_start3A_793, %dma_start3A_794] : memref<4x1x200x128xf32, #tpu.memory_space<vmem>> -> memref<1x1x96x128xf32, #tpu.memory_space<vmem>>
      %dma_start3A_796 = tpu.memref_squeeze %dma_start3A_795 : memref<1x1x96x128xf32, #tpu.memory_space<vmem>> -> memref<96x128xf32, #tpu.memory_space<vmem>>
      %dma_start3A_797 = arith.constant 104 : i32
      %dma_start3A_798 = tpu.memref_slice %arg5[%sub3A_778, %dma_start3A_797] : memref<128x200xi32, #tpu.memory_space<vmem>> -> memref<1x96xi32, #tpu.memory_space<vmem>>
      %dma_start3A_799 = tpu.memref_squeeze %dma_start3A_798 : memref<1x96xi32, #tpu.memory_space<vmem>> -> memref<96xi32, #tpu.memory_space<vmem>>
      %dma_start3A_800 = arith.constant 0 : i32
      %dma_start3A_801 = arith.constant 0 : i32
      %dma_start3A_802 = tpu.memref_slice %arg3[%dma_start3A_800, %dma_start3A_801] : memref<1000000x128xf32, #tpu.memory_space<hbm>> -> memref<1000000x128xf32, #tpu.memory_space<hbm>>
      tpu.enqueue_indirect_dma source(%dma_start3A_802 : memref<1000000x128xf32, #tpu.memory_space<hbm>>) target(%dma_start3A_796 : memref<96x128xf32, #tpu.memory_space<vmem>>) offsets(%dma_start3A_799 : memref<96xi32, #tpu.memory_space<vmem>>) semaphore(%arg10 : memref<!tpu.dma_semaphore, #tpu.memory_space<semaphore_mem>>)
      %mul3A_803 = arith.constant 4 : i32
      %mul3A_804 = arith.muli %scan3A_710, %mul3A_803 : i32
      %add3A_805 = arith.constant 1 : i32
      %add3A_806 = arith.addi %mul3A_804, %add3A_805 : i32
      %dma_wait3A_807 = arith.constant 0 : i32
      %dma_wait3A_808 = arith.constant 1 : i32
      %dma_wait3A_809 = arith.constant 0 : i32
      %dma_wait3A_810 = arith.constant 0 : i32
      %dma_wait3A_811 = arith.constant 0 : i32
      %dma_wait3A_812 = tpu.memref_slice %arg6[%dma_wait3A_808, %dma_wait3A_809, %dma_wait3A_810, %dma_wait3A_811] : memref<4x1x200x128xf32, #tpu.memory_space<vmem>> -> memref<1x1x104x128xf32, #tpu.memory_space<vmem>>
      %dma_wait3A_813 = tpu.memref_squeeze %dma_wait3A_812 : memref<1x1x104x128xf32, #tpu.memory_space<vmem>> -> memref<104x128xf32, #tpu.memory_space<vmem>>
      %dma_wait3A_814 = arith.constant 0 : i32
      %dma_wait3A_815 = tpu.memref_slice %arg5[%dma_wait3A_807, %dma_wait3A_814] : memref<128x200xi32, #tpu.memory_space<vmem>> -> memref<1x104xi32, #tpu.memory_space<vmem>>
      %dma_wait3A_816 = tpu.memref_squeeze %dma_wait3A_815 : memref<1x104xi32, #tpu.memory_space<vmem>> -> memref<104xi32, #tpu.memory_space<vmem>>
      %dma_wait3A_817 = arith.constant 0 : i32
      %dma_wait3A_818 = arith.constant 0 : i32
      %dma_wait3A_819 = tpu.memref_slice %arg3[%dma_wait3A_817, %dma_wait3A_818] : memref<1000000x128xf32, #tpu.memory_space<hbm>> -> memref<1000000x128xf32, #tpu.memory_space<hbm>>
      tpu.wait_indirect_dma semaphore(%arg8 : memref<!tpu.dma_semaphore, #tpu.memory_space<semaphore_mem>>) src(%dma_wait3A_819 : memref<1000000x128xf32, #tpu.memory_space<hbm>>) dst(%dma_wait3A_813 : memref<104x128xf32, #tpu.memory_space<vmem>>)
      %dma_wait3A_820 = arith.constant 0 : i32
      %dma_wait3A_821 = arith.constant 1 : i32
      %dma_wait3A_822 = arith.constant 0 : i32
      %dma_wait3A_823 = arith.constant 104 : i32
      %dma_wait3A_824 = arith.constant 0 : i32
      %dma_wait3A_825 = tpu.memref_slice %arg6[%dma_wait3A_821, %dma_wait3A_822, %dma_wait3A_823, %dma_wait3A_824] : memref<4x1x200x128xf32, #tpu.memory_space<vmem>> -> memref<1x1x96x128xf32, #tpu.memory_space<vmem>>
      %dma_wait3A_826 = tpu.memref_squeeze %dma_wait3A_825 : memref<1x1x96x128xf32, #tpu.memory_space<vmem>> -> memref<96x128xf32, #tpu.memory_space<vmem>>
      %dma_wait3A_827 = arith.constant 104 : i32
      %dma_wait3A_828 = tpu.memref_slice %arg5[%dma_wait3A_820, %dma_wait3A_827] : memref<128x200xi32, #tpu.memory_space<vmem>> -> memref<1x96xi32, #tpu.memory_space<vmem>>
      %dma_wait3A_829 = tpu.memref_squeeze %dma_wait3A_828 : memref<1x96xi32, #tpu.memory_space<vmem>> -> memref<96xi32, #tpu.memory_space<vmem>>
      %dma_wait3A_830 = arith.constant 0 : i32
      %dma_wait3A_831 = arith.constant 0 : i32
      %dma_wait3A_832 = tpu.memref_slice %arg3[%dma_wait3A_830, %dma_wait3A_831] : memref<1000000x128xf32, #tpu.memory_space<hbm>> -> memref<1000000x128xf32, #tpu.memory_space<hbm>>
      tpu.wait_indirect_dma semaphore(%arg8 : memref<!tpu.dma_semaphore, #tpu.memory_space<semaphore_mem>>) src(%dma_wait3A_832 : memref<1000000x128xf32, #tpu.memory_space<hbm>>) dst(%dma_wait3A_826 : memref<96x128xf32, #tpu.memory_space<vmem>>)
      %add3A_833 = arith.addi %mul3A_2, %add3A_806 : i32
      %mul3A_834 = arith.constant 200 : i32
      %mul3A_835 = arith.muli %add3A_833, %mul3A_834 : i32
      %dma_start3A_836 = arith.constant 1 : i32
      %dma_start3A_837 = arith.constant 0 : i32
      %dma_start3A_838 = arith.constant 0 : i32
      %dma_start3A_839 = arith.constant 0 : i32
      %dma_start3A_840 = tpu.memref_slice %arg6[%dma_start3A_836, %dma_start3A_837, %dma_start3A_838, %dma_start3A_839] : memref<4x1x200x128xf32, #tpu.memory_space<vmem>> -> memref<1x1x200x64xf32, #tpu.memory_space<vmem>>
      %dma_start3A_841 = tpu.memref_squeeze %dma_start3A_840 : memref<1x1x200x64xf32, #tpu.memory_space<vmem>> -> memref<200x64xf32, #tpu.memory_space<vmem>>
      %dma_start3A_842 = arith.constant 0 : i32
      %dma_start3A_843 = tpu.memref_slice %arg4[%mul3A_835, %dma_start3A_842] : memref<819200x64xf32, #tpu.memory_space<hbm>> -> memref<200x64xf32, #tpu.memory_space<hbm>>
      %dma_start3A_844 = arith.constant 0 : i32
      %dma_start3A_845 = tpu.memref_slice %arg4[%mul3A_835, %dma_start3A_844] : memref<819200x64xf32, #tpu.memory_space<hbm>> -> memref<200x64xf32, #tpu.memory_space<hbm>>
      %dma_start3A_846 = arith.constant 0 : i32
      %dma_start3A_847 = arith.constant 0 : i32
      %dma_start3A_848 = tpu.memref_slice %arg6[%dma_start3A_836, %dma_start3A_837, %dma_start3A_846, %dma_start3A_847] : memref<4x1x200x128xf32, #tpu.memory_space<vmem>> -> memref<1x1x200x64xf32, #tpu.memory_space<vmem>>
      %dma_start3A_849 = tpu.memref_squeeze %dma_start3A_848 : memref<1x1x200x64xf32, #tpu.memory_space<vmem>> -> memref<200x64xf32, #tpu.memory_space<vmem>>
      tpu.enqueue_dma source(%dma_start3A_849 : memref<200x64xf32, #tpu.memory_space<vmem>>) target(%dma_start3A_845 : memref<200x64xf32, #tpu.memory_space<hbm>>) target_semaphore(%arg12 : memref<!tpu.dma_semaphore, #tpu.memory_space<semaphore_mem>>)
      %add3A_850 = arith.constant 0 : i32
      %add3A_851 = arith.addi %mul3A_2, %add3A_850 : i32
      %mul3A_852 = arith.constant 200 : i32
      %mul3A_853 = arith.muli %add3A_851, %mul3A_852 : i32
      %dma_wait3A_854 = arith.constant 0 : i32
      %dma_wait3A_855 = arith.constant 0 : i32
      %dma_wait3A_856 = arith.constant 0 : i32
      %dma_wait3A_857 = arith.constant 0 : i32
      %dma_wait3A_858 = tpu.memref_slice %arg6[%dma_wait3A_854, %dma_wait3A_855, %dma_wait3A_856, %dma_wait3A_857] : memref<4x1x200x128xf32, #tpu.memory_space<vmem>> -> memref<1x1x200x64xf32, #tpu.memory_space<vmem>>
      %dma_wait3A_859 = tpu.memref_squeeze %dma_wait3A_858 : memref<1x1x200x64xf32, #tpu.memory_space<vmem>> -> memref<200x64xf32, #tpu.memory_space<vmem>>
      %dma_wait3A_860 = arith.constant 0 : i32
      %dma_wait3A_861 = tpu.memref_slice %arg4[%mul3A_853, %dma_wait3A_860] : memref<819200x64xf32, #tpu.memory_space<hbm>> -> memref<200x64xf32, #tpu.memory_space<hbm>>
      %dma_wait3A_862 = arith.constant 0 : i32
      %dma_wait3A_863 = tpu.memref_slice %arg4[%mul3A_853, %dma_wait3A_862] : memref<819200x64xf32, #tpu.memory_space<hbm>> -> memref<200x64xf32, #tpu.memory_space<hbm>>
      %dma_wait3A_864 = arith.constant 0 : i32
      %dma_wait3A_865 = arith.constant 0 : i32
      %dma_wait3A_866 = tpu.memref_slice %arg6[%dma_wait3A_854, %dma_wait3A_855, %dma_wait3A_864, %dma_wait3A_865] : memref<4x1x200x128xf32, #tpu.memory_space<vmem>> -> memref<1x1x200x64xf32, #tpu.memory_space<vmem>>
      %dma_wait3A_867 = tpu.memref_squeeze %dma_wait3A_866 : memref<1x1x200x64xf32, #tpu.memory_space<vmem>> -> memref<200x64xf32, #tpu.memory_space<vmem>>
      tpu.wait_dma2 semaphore(%arg11 : memref<!tpu.dma_semaphore, #tpu.memory_space<semaphore_mem>>) src(%dma_wait3A_867 : memref<200x64xf32, #tpu.memory_space<vmem>>) dst(%dma_wait3A_863 : memref<200x64xf32, #tpu.memory_space<hbm>>)
      %add3A_868 = arith.constant 4 : i32
      %add3A_869 = arith.addi %add3A_806, %add3A_868 : i32
      %sub3A_870 = arith.constant 1 : i32
      %sub3A_871 = arith.subi %add3A_869, %sub3A_870 : i32
      %dma_start3A_872 = arith.constant 0 : i32
      %dma_start3A_873 = arith.constant 0 : i32
      %dma_start3A_874 = arith.constant 0 : i32
      %dma_start3A_875 = arith.constant 0 : i32
      %dma_start3A_876 = tpu.memref_slice %arg6[%dma_start3A_872, %dma_start3A_873, %dma_start3A_874, %dma_start3A_875] : memref<4x1x200x128xf32, #tpu.memory_space<vmem>> -> memref<1x1x104x128xf32, #tpu.memory_space<vmem>>
      %dma_start3A_877 = tpu.memref_squeeze %dma_start3A_876 : memref<1x1x104x128xf32, #tpu.memory_space<vmem>> -> memref<104x128xf32, #tpu.memory_space<vmem>>
      %dma_start3A_878 = arith.constant 0 : i32
      %dma_start3A_879 = tpu.memref_slice %arg5[%sub3A_871, %dma_start3A_878] : memref<128x200xi32, #tpu.memory_space<vmem>> -> memref<1x104xi32, #tpu.memory_space<vmem>>
      %dma_start3A_880 = tpu.memref_squeeze %dma_start3A_879 : memref<1x104xi32, #tpu.memory_space<vmem>> -> memref<104xi32, #tpu.memory_space<vmem>>
      %dma_start3A_881 = arith.constant 0 : i32
      %dma_start3A_882 = arith.constant 0 : i32
      %dma_start3A_883 = tpu.memref_slice %arg3[%dma_start3A_881, %dma_start3A_882] : memref<1000000x128xf32, #tpu.memory_space<hbm>> -> memref<1000000x128xf32, #tpu.memory_space<hbm>>
      tpu.enqueue_indirect_dma source(%dma_start3A_883 : memref<1000000x128xf32, #tpu.memory_space<hbm>>) target(%dma_start3A_877 : memref<104x128xf32, #tpu.memory_space<vmem>>) offsets(%dma_start3A_880 : memref<104xi32, #tpu.memory_space<vmem>>) semaphore(%arg7 : memref<!tpu.dma_semaphore, #tpu.memory_space<semaphore_mem>>)
      %dma_start3A_884 = arith.constant 0 : i32
      %dma_start3A_885 = arith.constant 0 : i32
      %dma_start3A_886 = arith.constant 104 : i32
      %dma_start3A_887 = arith.constant 0 : i32
      %dma_start3A_888 = tpu.memref_slice %arg6[%dma_start3A_884, %dma_start3A_885, %dma_start3A_886, %dma_start3A_887] : memref<4x1x200x128xf32, #tpu.memory_space<vmem>> -> memref<1x1x96x128xf32, #tpu.memory_space<vmem>>
      %dma_start3A_889 = tpu.memref_squeeze %dma_start3A_888 : memref<1x1x96x128xf32, #tpu.memory_space<vmem>> -> memref<96x128xf32, #tpu.memory_space<vmem>>
      %dma_start3A_890 = arith.constant 104 : i32
      %dma_start3A_891 = tpu.memref_slice %arg5[%sub3A_871, %dma_start3A_890] : memref<128x200xi32, #tpu.memory_space<vmem>> -> memref<1x96xi32, #tpu.memory_space<vmem>>
      %dma_start3A_892 = tpu.memref_squeeze %dma_start3A_891 : memref<1x96xi32, #tpu.memory_space<vmem>> -> memref<96xi32, #tpu.memory_space<vmem>>
      %dma_start3A_893 = arith.constant 0 : i32
      %dma_start3A_894 = arith.constant 0 : i32
      %dma_start3A_895 = tpu.memref_slice %arg3[%dma_start3A_893, %dma_start3A_894] : memref<1000000x128xf32, #tpu.memory_space<hbm>> -> memref<1000000x128xf32, #tpu.memory_space<hbm>>
      tpu.enqueue_indirect_dma source(%dma_start3A_895 : memref<1000000x128xf32, #tpu.memory_space<hbm>>) target(%dma_start3A_889 : memref<96x128xf32, #tpu.memory_space<vmem>>) offsets(%dma_start3A_892 : memref<96xi32, #tpu.memory_space<vmem>>) semaphore(%arg7 : memref<!tpu.dma_semaphore, #tpu.memory_space<semaphore_mem>>)
      %mul3A_896 = arith.constant 4 : i32
      %mul3A_897 = arith.muli %scan3A_710, %mul3A_896 : i32
      %add3A_898 = arith.constant 2 : i32
      %add3A_899 = arith.addi %mul3A_897, %add3A_898 : i32
      %dma_wait3A_900 = arith.constant 0 : i32
      %dma_wait3A_901 = arith.constant 2 : i32
      %dma_wait3A_902 = arith.constant 0 : i32
      %dma_wait3A_903 = arith.constant 0 : i32
      %dma_wait3A_904 = arith.constant 0 : i32
      %dma_wait3A_905 = tpu.memref_slice %arg6[%dma_wait3A_901, %dma_wait3A_902, %dma_wait3A_903, %dma_wait3A_904] : memref<4x1x200x128xf32, #tpu.memory_space<vmem>> -> memref<1x1x104x128xf32, #tpu.memory_space<vmem>>
      %dma_wait3A_906 = tpu.memref_squeeze %dma_wait3A_905 : memref<1x1x104x128xf32, #tpu.memory_space<vmem>> -> memref<104x128xf32, #tpu.memory_space<vmem>>
      %dma_wait3A_907 = arith.constant 0 : i32
      %dma_wait3A_908 = tpu.memref_slice %arg5[%dma_wait3A_900, %dma_wait3A_907] : memref<128x200xi32, #tpu.memory_space<vmem>> -> memref<1x104xi32, #tpu.memory_space<vmem>>
      %dma_wait3A_909 = tpu.memref_squeeze %dma_wait3A_908 : memref<1x104xi32, #tpu.memory_space<vmem>> -> memref<104xi32, #tpu.memory_space<vmem>>
      %dma_wait3A_910 = arith.constant 0 : i32
      %dma_wait3A_911 = arith.constant 0 : i32
      %dma_wait3A_912 = tpu.memref_slice %arg3[%dma_wait3A_910, %dma_wait3A_911] : memref<1000000x128xf32, #tpu.memory_space<hbm>> -> memref<1000000x128xf32, #tpu.memory_space<hbm>>
      tpu.wait_indirect_dma semaphore(%arg9 : memref<!tpu.dma_semaphore, #tpu.memory_space<semaphore_mem>>) src(%dma_wait3A_912 : memref<1000000x128xf32, #tpu.memory_space<hbm>>) dst(%dma_wait3A_906 : memref<104x128xf32, #tpu.memory_space<vmem>>)
      %dma_wait3A_913 = arith.constant 0 : i32
      %dma_wait3A_914 = arith.constant 2 : i32
      %dma_wait3A_915 = arith.constant 0 : i32
      %dma_wait3A_916 = arith.constant 104 : i32
      %dma_wait3A_917 = arith.constant 0 : i32
      %dma_wait3A_918 = tpu.memref_slice %arg6[%dma_wait3A_914, %dma_wait3A_915, %dma_wait3A_916, %dma_wait3A_917] : memref<4x1x200x128xf32, #tpu.memory_space<vmem>> -> memref<1x1x96x128xf32, #tpu.memory_space<vmem>>
      %dma_wait3A_919 = tpu.memref_squeeze %dma_wait3A_918 : memref<1x1x96x128xf32, #tpu.memory_space<vmem>> -> memref<96x128xf32, #tpu.memory_space<vmem>>
      %dma_wait3A_920 = arith.constant 104 : i32
      %dma_wait3A_921 = tpu.memref_slice %arg5[%dma_wait3A_913, %dma_wait3A_920] : memref<128x200xi32, #tpu.memory_space<vmem>> -> memref<1x96xi32, #tpu.memory_space<vmem>>
      %dma_wait3A_922 = tpu.memref_squeeze %dma_wait3A_921 : memref<1x96xi32, #tpu.memory_space<vmem>> -> memref<96xi32, #tpu.memory_space<vmem>>
      %dma_wait3A_923 = arith.constant 0 : i32
      %dma_wait3A_924 = arith.constant 0 : i32
      %dma_wait3A_925 = tpu.memref_slice %arg3[%dma_wait3A_923, %dma_wait3A_924] : memref<1000000x128xf32, #tpu.memory_space<hbm>> -> memref<1000000x128xf32, #tpu.memory_space<hbm>>
      tpu.wait_indirect_dma semaphore(%arg9 : memref<!tpu.dma_semaphore, #tpu.memory_space<semaphore_mem>>) src(%dma_wait3A_925 : memref<1000000x128xf32, #tpu.memory_space<hbm>>) dst(%dma_wait3A_919 : memref<96x128xf32, #tpu.memory_space<vmem>>)
      %add3A_926 = arith.addi %mul3A_2, %add3A_899 : i32
      %mul3A_927 = arith.constant 200 : i32
      %mul3A_928 = arith.muli %add3A_926, %mul3A_927 : i32
      %dma_start3A_929 = arith.constant 2 : i32
      %dma_start3A_930 = arith.constant 0 : i32
      %dma_start3A_931 = arith.constant 0 : i32
      %dma_start3A_932 = arith.constant 0 : i32
      %dma_start3A_933 = tpu.memref_slice %arg6[%dma_start3A_929, %dma_start3A_930, %dma_start3A_931, %dma_start3A_932] : memref<4x1x200x128xf32, #tpu.memory_space<vmem>> -> memref<1x1x200x64xf32, #tpu.memory_space<vmem>>
      %dma_start3A_934 = tpu.memref_squeeze %dma_start3A_933 : memref<1x1x200x64xf32, #tpu.memory_space<vmem>> -> memref<200x64xf32, #tpu.memory_space<vmem>>
      %dma_start3A_935 = arith.constant 0 : i32
      %dma_start3A_936 = tpu.memref_slice %arg4[%mul3A_928, %dma_start3A_935] : memref<819200x64xf32, #tpu.memory_space<hbm>> -> memref<200x64xf32, #tpu.memory_space<hbm>>
      %dma_start3A_937 = arith.constant 0 : i32
      %dma_start3A_938 = tpu.memref_slice %arg4[%mul3A_928, %dma_start3A_937] : memref<819200x64xf32, #tpu.memory_space<hbm>> -> memref<200x64xf32, #tpu.memory_space<hbm>>
      %dma_start3A_939 = arith.constant 0 : i32
      %dma_start3A_940 = arith.constant 0 : i32
      %dma_start3A_941 = tpu.memref_slice %arg6[%dma_start3A_929, %dma_start3A_930, %dma_start3A_939, %dma_start3A_940] : memref<4x1x200x128xf32, #tpu.memory_space<vmem>> -> memref<1x1x200x64xf32, #tpu.memory_space<vmem>>
      %dma_start3A_942 = tpu.memref_squeeze %dma_start3A_941 : memref<1x1x200x64xf32, #tpu.memory_space<vmem>> -> memref<200x64xf32, #tpu.memory_space<vmem>>
      tpu.enqueue_dma source(%dma_start3A_942 : memref<200x64xf32, #tpu.memory_space<vmem>>) target(%dma_start3A_938 : memref<200x64xf32, #tpu.memory_space<hbm>>) target_semaphore(%arg13 : memref<!tpu.dma_semaphore, #tpu.memory_space<semaphore_mem>>)
      %add3A_943 = arith.constant 0 : i32
      %add3A_944 = arith.addi %mul3A_2, %add3A_943 : i32
      %mul3A_945 = arith.constant 200 : i32
      %mul3A_946 = arith.muli %add3A_944, %mul3A_945 : i32
      %dma_wait3A_947 = arith.constant 1 : i32
      %dma_wait3A_948 = arith.constant 0 : i32
      %dma_wait3A_949 = arith.constant 0 : i32
      %dma_wait3A_950 = arith.constant 0 : i32
      %dma_wait3A_951 = tpu.memref_slice %arg6[%dma_wait3A_947, %dma_wait3A_948, %dma_wait3A_949, %dma_wait3A_950] : memref<4x1x200x128xf32, #tpu.memory_space<vmem>> -> memref<1x1x200x64xf32, #tpu.memory_space<vmem>>
      %dma_wait3A_952 = tpu.memref_squeeze %dma_wait3A_951 : memref<1x1x200x64xf32, #tpu.memory_space<vmem>> -> memref<200x64xf32, #tpu.memory_space<vmem>>
      %dma_wait3A_953 = arith.constant 0 : i32
      %dma_wait3A_954 = tpu.memref_slice %arg4[%mul3A_946, %dma_wait3A_953] : memref<819200x64xf32, #tpu.memory_space<hbm>> -> memref<200x64xf32, #tpu.memory_space<hbm>>
      %dma_wait3A_955 = arith.constant 0 : i32
      %dma_wait3A_956 = tpu.memref_slice %arg4[%mul3A_946, %dma_wait3A_955] : memref<819200x64xf32, #tpu.memory_space<hbm>> -> memref<200x64xf32, #tpu.memory_space<hbm>>
      %dma_wait3A_957 = arith.constant 0 : i32
      %dma_wait3A_958 = arith.constant 0 : i32
      %dma_wait3A_959 = tpu.memref_slice %arg6[%dma_wait3A_947, %dma_wait3A_948, %dma_wait3A_957, %dma_wait3A_958] : memref<4x1x200x128xf32, #tpu.memory_space<vmem>> -> memref<1x1x200x64xf32, #tpu.memory_space<vmem>>
      %dma_wait3A_960 = tpu.memref_squeeze %dma_wait3A_959 : memref<1x1x200x64xf32, #tpu.memory_space<vmem>> -> memref<200x64xf32, #tpu.memory_space<vmem>>
      tpu.wait_dma2 semaphore(%arg12 : memref<!tpu.dma_semaphore, #tpu.memory_space<semaphore_mem>>) src(%dma_wait3A_960 : memref<200x64xf32, #tpu.memory_space<vmem>>) dst(%dma_wait3A_956 : memref<200x64xf32, #tpu.memory_space<hbm>>)
      %add3A_961 = arith.constant 4 : i32
      %add3A_962 = arith.addi %add3A_899, %add3A_961 : i32
      %sub3A_963 = arith.constant 1 : i32
      %sub3A_964 = arith.subi %add3A_962, %sub3A_963 : i32
      %dma_start3A_965 = arith.constant 1 : i32
      %dma_start3A_966 = arith.constant 0 : i32
      %dma_start3A_967 = arith.constant 0 : i32
      %dma_start3A_968 = arith.constant 0 : i32
      %dma_start3A_969 = tpu.memref_slice %arg6[%dma_start3A_965, %dma_start3A_966, %dma_start3A_967, %dma_start3A_968] : memref<4x1x200x128xf32, #tpu.memory_space<vmem>> -> memref<1x1x104x128xf32, #tpu.memory_space<vmem>>
      %dma_start3A_970 = tpu.memref_squeeze %dma_start3A_969 : memref<1x1x104x128xf32, #tpu.memory_space<vmem>> -> memref<104x128xf32, #tpu.memory_space<vmem>>
      %dma_start3A_971 = arith.constant 0 : i32
      %dma_start3A_972 = tpu.memref_slice %arg5[%sub3A_964, %dma_start3A_971] : memref<128x200xi32, #tpu.memory_space<vmem>> -> memref<1x104xi32, #tpu.memory_space<vmem>>
      %dma_start3A_973 = tpu.memref_squeeze %dma_start3A_972 : memref<1x104xi32, #tpu.memory_space<vmem>> -> memref<104xi32, #tpu.memory_space<vmem>>
      %dma_start3A_974 = arith.constant 0 : i32
      %dma_start3A_975 = arith.constant 0 : i32
      %dma_start3A_976 = tpu.memref_slice %arg3[%dma_start3A_974, %dma_start3A_975] : memref<1000000x128xf32, #tpu.memory_space<hbm>> -> memref<1000000x128xf32, #tpu.memory_space<hbm>>
      tpu.enqueue_indirect_dma source(%dma_start3A_976 : memref<1000000x128xf32, #tpu.memory_space<hbm>>) target(%dma_start3A_970 : memref<104x128xf32, #tpu.memory_space<vmem>>) offsets(%dma_start3A_973 : memref<104xi32, #tpu.memory_space<vmem>>) semaphore(%arg8 : memref<!tpu.dma_semaphore, #tpu.memory_space<semaphore_mem>>)
      %dma_start3A_977 = arith.constant 1 : i32
      %dma_start3A_978 = arith.constant 0 : i32
      %dma_start3A_979 = arith.constant 104 : i32
      %dma_start3A_980 = arith.constant 0 : i32
      %dma_start3A_981 = tpu.memref_slice %arg6[%dma_start3A_977, %dma_start3A_978, %dma_start3A_979, %dma_start3A_980] : memref<4x1x200x128xf32, #tpu.memory_space<vmem>> -> memref<1x1x96x128xf32, #tpu.memory_space<vmem>>
      %dma_start3A_982 = tpu.memref_squeeze %dma_start3A_981 : memref<1x1x96x128xf32, #tpu.memory_space<vmem>> -> memref<96x128xf32, #tpu.memory_space<vmem>>
      %dma_start3A_983 = arith.constant 104 : i32
      %dma_start3A_984 = tpu.memref_slice %arg5[%sub3A_964, %dma_start3A_983] : memref<128x200xi32, #tpu.memory_space<vmem>> -> memref<1x96xi32, #tpu.memory_space<vmem>>
      %dma_start3A_985 = tpu.memref_squeeze %dma_start3A_984 : memref<1x96xi32, #tpu.memory_space<vmem>> -> memref<96xi32, #tpu.memory_space<vmem>>
      %dma_start3A_986 = arith.constant 0 : i32
      %dma_start3A_987 = arith.constant 0 : i32
      %dma_start3A_988 = tpu.memref_slice %arg3[%dma_start3A_986, %dma_start3A_987] : memref<1000000x128xf32, #tpu.memory_space<hbm>> -> memref<1000000x128xf32, #tpu.memory_space<hbm>>
      tpu.enqueue_indirect_dma source(%dma_start3A_988 : memref<1000000x128xf32, #tpu.memory_space<hbm>>) target(%dma_start3A_982 : memref<96x128xf32, #tpu.memory_space<vmem>>) offsets(%dma_start3A_985 : memref<96xi32, #tpu.memory_space<vmem>>) semaphore(%arg8 : memref<!tpu.dma_semaphore, #tpu.memory_space<semaphore_mem>>)
      %mul3A_989 = arith.constant 4 : i32
      %mul3A_990 = arith.muli %scan3A_710, %mul3A_989 : i32
      %add3A_991 = arith.constant 3 : i32
      %add3A_992 = arith.addi %mul3A_990, %add3A_991 : i32
      %dma_wait3A_993 = arith.constant 0 : i32
      %dma_wait3A_994 = arith.constant 3 : i32
      %dma_wait3A_995 = arith.constant 0 : i32
      %dma_wait3A_996 = arith.constant 0 : i32
      %dma_wait3A_997 = arith.constant 0 : i32
      %dma_wait3A_998 = tpu.memref_slice %arg6[%dma_wait3A_994, %dma_wait3A_995, %dma_wait3A_996, %dma_wait3A_997] : memref<4x1x200x128xf32, #tpu.memory_space<vmem>> -> memref<1x1x104x128xf32, #tpu.memory_space<vmem>>
      %dma_wait3A_999 = tpu.memref_squeeze %dma_wait3A_998 : memref<1x1x104x128xf32, #tpu.memory_space<vmem>> -> memref<104x128xf32, #tpu.memory_space<vmem>>
      %dma_wait3A_1000 = arith.constant 0 : i32
      %dma_wait3A_1001 = tpu.memref_slice %arg5[%dma_wait3A_993, %dma_wait3A_1000] : memref<128x200xi32, #tpu.memory_space<vmem>> -> memref<1x104xi32, #tpu.memory_space<vmem>>
      %dma_wait3A_1002 = tpu.memref_squeeze %dma_wait3A_1001 : memref<1x104xi32, #tpu.memory_space<vmem>> -> memref<104xi32, #tpu.memory_space<vmem>>
      %dma_wait3A_1003 = arith.constant 0 : i32
      %dma_wait3A_1004 = arith.constant 0 : i32
      %dma_wait3A_1005 = tpu.memref_slice %arg3[%dma_wait3A_1003, %dma_wait3A_1004] : memref<1000000x128xf32, #tpu.memory_space<hbm>> -> memref<1000000x128xf32, #tpu.memory_space<hbm>>
      tpu.wait_indirect_dma semaphore(%arg10 : memref<!tpu.dma_semaphore, #tpu.memory_space<semaphore_mem>>) src(%dma_wait3A_1005 : memref<1000000x128xf32, #tpu.memory_space<hbm>>) dst(%dma_wait3A_999 : memref<104x128xf32, #tpu.memory_space<vmem>>)
      %dma_wait3A_1006 = arith.constant 0 : i32
      %dma_wait3A_1007 = arith.constant 3 : i32
      %dma_wait3A_1008 = arith.constant 0 : i32
      %dma_wait3A_1009 = arith.constant 104 : i32
      %dma_wait3A_1010 = arith.constant 0 : i32
      %dma_wait3A_1011 = tpu.memref_slice %arg6[%dma_wait3A_1007, %dma_wait3A_1008, %dma_wait3A_1009, %dma_wait3A_1010] : memref<4x1x200x128xf32, #tpu.memory_space<vmem>> -> memref<1x1x96x128xf32, #tpu.memory_space<vmem>>
      %dma_wait3A_1012 = tpu.memref_squeeze %dma_wait3A_1011 : memref<1x1x96x128xf32, #tpu.memory_space<vmem>> -> memref<96x128xf32, #tpu.memory_space<vmem>>
      %dma_wait3A_1013 = arith.constant 104 : i32
      %dma_wait3A_1014 = tpu.memref_slice %arg5[%dma_wait3A_1006, %dma_wait3A_1013] : memref<128x200xi32, #tpu.memory_space<vmem>> -> memref<1x96xi32, #tpu.memory_space<vmem>>
      %dma_wait3A_1015 = tpu.memref_squeeze %dma_wait3A_1014 : memref<1x96xi32, #tpu.memory_space<vmem>> -> memref<96xi32, #tpu.memory_space<vmem>>
      %dma_wait3A_1016 = arith.constant 0 : i32
      %dma_wait3A_1017 = arith.constant 0 : i32
      %dma_wait3A_1018 = tpu.memref_slice %arg3[%dma_wait3A_1016, %dma_wait3A_1017] : memref<1000000x128xf32, #tpu.memory_space<hbm>> -> memref<1000000x128xf32, #tpu.memory_space<hbm>>
      tpu.wait_indirect_dma semaphore(%arg10 : memref<!tpu.dma_semaphore, #tpu.memory_space<semaphore_mem>>) src(%dma_wait3A_1018 : memref<1000000x128xf32, #tpu.memory_space<hbm>>) dst(%dma_wait3A_1012 : memref<96x128xf32, #tpu.memory_space<vmem>>)
      %add3A_1019 = arith.addi %mul3A_2, %add3A_992 : i32
      %mul3A_1020 = arith.constant 200 : i32
      %mul3A_1021 = arith.muli %add3A_1019, %mul3A_1020 : i32
      %dma_start3A_1022 = arith.constant 3 : i32
      %dma_start3A_1023 = arith.constant 0 : i32
      %dma_start3A_1024 = arith.constant 0 : i32
      %dma_start3A_1025 = arith.constant 0 : i32
      %dma_start3A_1026 = tpu.memref_slice %arg6[%dma_start3A_1022, %dma_start3A_1023, %dma_start3A_1024, %dma_start3A_1025] : memref<4x1x200x128xf32, #tpu.memory_space<vmem>> -> memref<1x1x200x64xf32, #tpu.memory_space<vmem>>
      %dma_start3A_1027 = tpu.memref_squeeze %dma_start3A_1026 : memref<1x1x200x64xf32, #tpu.memory_space<vmem>> -> memref<200x64xf32, #tpu.memory_space<vmem>>
      %dma_start3A_1028 = arith.constant 0 : i32
      %dma_start3A_1029 = tpu.memref_slice %arg4[%mul3A_1021, %dma_start3A_1028] : memref<819200x64xf32, #tpu.memory_space<hbm>> -> memref<200x64xf32, #tpu.memory_space<hbm>>
      %dma_start3A_1030 = arith.constant 0 : i32
      %dma_start3A_1031 = tpu.memref_slice %arg4[%mul3A_1021, %dma_start3A_1030] : memref<819200x64xf32, #tpu.memory_space<hbm>> -> memref<200x64xf32, #tpu.memory_space<hbm>>
      %dma_start3A_1032 = arith.constant 0 : i32
      %dma_start3A_1033 = arith.constant 0 : i32
      %dma_start3A_1034 = tpu.memref_slice %arg6[%dma_start3A_1022, %dma_start3A_1023, %dma_start3A_1032, %dma_start3A_1033] : memref<4x1x200x128xf32, #tpu.memory_space<vmem>> -> memref<1x1x200x64xf32, #tpu.memory_space<vmem>>
      %dma_start3A_1035 = tpu.memref_squeeze %dma_start3A_1034 : memref<1x1x200x64xf32, #tpu.memory_space<vmem>> -> memref<200x64xf32, #tpu.memory_space<vmem>>
      tpu.enqueue_dma source(%dma_start3A_1035 : memref<200x64xf32, #tpu.memory_space<vmem>>) target(%dma_start3A_1031 : memref<200x64xf32, #tpu.memory_space<hbm>>) target_semaphore(%arg14 : memref<!tpu.dma_semaphore, #tpu.memory_space<semaphore_mem>>)
      %add3A_1036 = arith.constant 0 : i32
      %add3A_1037 = arith.addi %mul3A_2, %add3A_1036 : i32
      %mul3A_1038 = arith.constant 200 : i32
      %mul3A_1039 = arith.muli %add3A_1037, %mul3A_1038 : i32
      %dma_wait3A_1040 = arith.constant 2 : i32
      %dma_wait3A_1041 = arith.constant 0 : i32
      %dma_wait3A_1042 = arith.constant 0 : i32
      %dma_wait3A_1043 = arith.constant 0 : i32
      %dma_wait3A_1044 = tpu.memref_slice %arg6[%dma_wait3A_1040, %dma_wait3A_1041, %dma_wait3A_1042, %dma_wait3A_1043] : memref<4x1x200x128xf32, #tpu.memory_space<vmem>> -> memref<1x1x200x64xf32, #tpu.memory_space<vmem>>
      %dma_wait3A_1045 = tpu.memref_squeeze %dma_wait3A_1044 : memref<1x1x200x64xf32, #tpu.memory_space<vmem>> -> memref<200x64xf32, #tpu.memory_space<vmem>>
      %dma_wait3A_1046 = arith.constant 0 : i32
      %dma_wait3A_1047 = tpu.memref_slice %arg4[%mul3A_1039, %dma_wait3A_1046] : memref<819200x64xf32, #tpu.memory_space<hbm>> -> memref<200x64xf32, #tpu.memory_space<hbm>>
      %dma_wait3A_1048 = arith.constant 0 : i32
      %dma_wait3A_1049 = tpu.memref_slice %arg4[%mul3A_1039, %dma_wait3A_1048] : memref<819200x64xf32, #tpu.memory_space<hbm>> -> memref<200x64xf32, #tpu.memory_space<hbm>>
      %dma_wait3A_1050 = arith.constant 0 : i32
      %dma_wait3A_1051 = arith.constant 0 : i32
      %dma_wait3A_1052 = tpu.memref_slice %arg6[%dma_wait3A_1040, %dma_wait3A_1041, %dma_wait3A_1050, %dma_wait3A_1051] : memref<4x1x200x128xf32, #tpu.memory_space<vmem>> -> memref<1x1x200x64xf32, #tpu.memory_space<vmem>>
      %dma_wait3A_1053 = tpu.memref_squeeze %dma_wait3A_1052 : memref<1x1x200x64xf32, #tpu.memory_space<vmem>> -> memref<200x64xf32, #tpu.memory_space<vmem>>
      tpu.wait_dma2 semaphore(%arg13 : memref<!tpu.dma_semaphore, #tpu.memory_space<semaphore_mem>>) src(%dma_wait3A_1053 : memref<200x64xf32, #tpu.memory_space<vmem>>) dst(%dma_wait3A_1049 : memref<200x64xf32, #tpu.memory_space<hbm>>)
      %add3A_1054 = arith.constant 4 : i32
      %add3A_1055 = arith.addi %add3A_992, %add3A_1054 : i32
      %sub3A_1056 = arith.constant 1 : i32
      %sub3A_1057 = arith.subi %add3A_1055, %sub3A_1056 : i32
      %dma_start3A_1058 = arith.constant 2 : i32
      %dma_start3A_1059 = arith.constant 0 : i32
      %dma_start3A_1060 = arith.constant 0 : i32
      %dma_start3A_1061 = arith.constant 0 : i32
      %dma_start3A_1062 = tpu.memref_slice %arg6[%dma_start3A_1058, %dma_start3A_1059, %dma_start3A_1060, %dma_start3A_1061] : memref<4x1x200x128xf32, #tpu.memory_space<vmem>> -> memref<1x1x104x128xf32, #tpu.memory_space<vmem>>
      %dma_start3A_1063 = tpu.memref_squeeze %dma_start3A_1062 : memref<1x1x104x128xf32, #tpu.memory_space<vmem>> -> memref<104x128xf32, #tpu.memory_space<vmem>>
      %dma_start3A_1064 = arith.constant 0 : i32
      %dma_start3A_1065 = tpu.memref_slice %arg5[%sub3A_1057, %dma_start3A_1064] : memref<128x200xi32, #tpu.memory_space<vmem>> -> memref<1x104xi32, #tpu.memory_space<vmem>>
      %dma_start3A_1066 = tpu.memref_squeeze %dma_start3A_1065 : memref<1x104xi32, #tpu.memory_space<vmem>> -> memref<104xi32, #tpu.memory_space<vmem>>
      %dma_start3A_1067 = arith.constant 0 : i32
      %dma_start3A_1068 = arith.constant 0 : i32
      %dma_start3A_1069 = tpu.memref_slice %arg3[%dma_start3A_1067, %dma_start3A_1068] : memref<1000000x128xf32, #tpu.memory_space<hbm>> -> memref<1000000x128xf32, #tpu.memory_space<hbm>>
      tpu.enqueue_indirect_dma source(%dma_start3A_1069 : memref<1000000x128xf32, #tpu.memory_space<hbm>>) target(%dma_start3A_1063 : memref<104x128xf32, #tpu.memory_space<vmem>>) offsets(%dma_start3A_1066 : memref<104xi32, #tpu.memory_space<vmem>>) semaphore(%arg9 : memref<!tpu.dma_semaphore, #tpu.memory_space<semaphore_mem>>)
      %dma_start3A_1070 = arith.constant 2 : i32
      %dma_start3A_1071 = arith.constant 0 : i32
      %dma_start3A_1072 = arith.constant 104 : i32
      %dma_start3A_1073 = arith.constant 0 : i32
      %dma_start3A_1074 = tpu.memref_slice %arg6[%dma_start3A_1070, %dma_start3A_1071, %dma_start3A_1072, %dma_start3A_1073] : memref<4x1x200x128xf32, #tpu.memory_space<vmem>> -> memref<1x1x96x128xf32, #tpu.memory_space<vmem>>
      %dma_start3A_1075 = tpu.memref_squeeze %dma_start3A_1074 : memref<1x1x96x128xf32, #tpu.memory_space<vmem>> -> memref<96x128xf32, #tpu.memory_space<vmem>>
      %dma_start3A_1076 = arith.constant 104 : i32
      %dma_start3A_1077 = tpu.memref_slice %arg5[%sub3A_1057, %dma_start3A_1076] : memref<128x200xi32, #tpu.memory_space<vmem>> -> memref<1x96xi32, #tpu.memory_space<vmem>>
      %dma_start3A_1078 = tpu.memref_squeeze %dma_start3A_1077 : memref<1x96xi32, #tpu.memory_space<vmem>> -> memref<96xi32, #tpu.memory_space<vmem>>
      %dma_start3A_1079 = arith.constant 0 : i32
      %dma_start3A_1080 = arith.constant 0 : i32
      %dma_start3A_1081 = tpu.memref_slice %arg3[%dma_start3A_1079, %dma_start3A_1080] : memref<1000000x128xf32, #tpu.memory_space<hbm>> -> memref<1000000x128xf32, #tpu.memory_space<hbm>>
      tpu.enqueue_indirect_dma source(%dma_start3A_1081 : memref<1000000x128xf32, #tpu.memory_space<hbm>>) target(%dma_start3A_1075 : memref<96x128xf32, #tpu.memory_space<vmem>>) offsets(%dma_start3A_1078 : memref<96xi32, #tpu.memory_space<vmem>>) semaphore(%arg9 : memref<!tpu.dma_semaphore, #tpu.memory_space<semaphore_mem>>)
    }
    %scan3A_417 = arith.constant 30 : i32
    %dma_wait3A_418 = arith.constant 0 : i32
    %dma_wait3A_419 = arith.constant 0 : i32
    %dma_wait3A_420 = arith.constant 0 : i32
    %dma_wait3A_421 = arith.constant 0 : i32
    %dma_wait3A_422 = arith.constant 0 : i32
    %dma_wait3A_423 = tpu.memref_slice %arg6[%dma_wait3A_419, %dma_wait3A_420, %dma_wait3A_421, %dma_wait3A_422] : memref<4x1x200x128xf32, #tpu.memory_space<vmem>> -> memref<1x1x104x128xf32, #tpu.memory_space<vmem>>
    %dma_wait3A_424 = tpu.memref_squeeze %dma_wait3A_423 : memref<1x1x104x128xf32, #tpu.memory_space<vmem>> -> memref<104x128xf32, #tpu.memory_space<vmem>>
    %dma_wait3A_425 = arith.constant 0 : i32
    %dma_wait3A_426 = tpu.memref_slice %arg5[%dma_wait3A_418, %dma_wait3A_425] : memref<128x200xi32, #tpu.memory_space<vmem>> -> memref<1x104xi32, #tpu.memory_space<vmem>>
    %dma_wait3A_427 = tpu.memref_squeeze %dma_wait3A_426 : memref<1x104xi32, #tpu.memory_space<vmem>> -> memref<104xi32, #tpu.memory_space<vmem>>
    %dma_wait3A_428 = arith.constant 0 : i32
    %dma_wait3A_429 = arith.constant 0 : i32
    %dma_wait3A_430 = tpu.memref_slice %arg3[%dma_wait3A_428, %dma_wait3A_429] : memref<1000000x128xf32, #tpu.memory_space<hbm>> -> memref<1000000x128xf32, #tpu.memory_space<hbm>>
    tpu.wait_indirect_dma semaphore(%arg7 : memref<!tpu.dma_semaphore, #tpu.memory_space<semaphore_mem>>) src(%dma_wait3A_430 : memref<1000000x128xf32, #tpu.memory_space<hbm>>) dst(%dma_wait3A_424 : memref<104x128xf32, #tpu.memory_space<vmem>>)
    %dma_wait3A_431 = arith.constant 0 : i32
    %dma_wait3A_432 = arith.constant 0 : i32
    %dma_wait3A_433 = arith.constant 0 : i32
    %dma_wait3A_434 = arith.constant 104 : i32
    %dma_wait3A_435 = arith.constant 0 : i32
    %dma_wait3A_436 = tpu.memref_slice %arg6[%dma_wait3A_432, %dma_wait3A_433, %dma_wait3A_434, %dma_wait3A_435] : memref<4x1x200x128xf32, #tpu.memory_space<vmem>> -> memref<1x1x96x128xf32, #tpu.memory_space<vmem>>
    %dma_wait3A_437 = tpu.memref_squeeze %dma_wait3A_436 : memref<1x1x96x128xf32, #tpu.memory_space<vmem>> -> memref<96x128xf32, #tpu.memory_space<vmem>>
    %dma_wait3A_438 = arith.constant 104 : i32
    %dma_wait3A_439 = tpu.memref_slice %arg5[%dma_wait3A_431, %dma_wait3A_438] : memref<128x200xi32, #tpu.memory_space<vmem>> -> memref<1x96xi32, #tpu.memory_space<vmem>>
    %dma_wait3A_440 = tpu.memref_squeeze %dma_wait3A_439 : memref<1x96xi32, #tpu.memory_space<vmem>> -> memref<96xi32, #tpu.memory_space<vmem>>
    %dma_wait3A_441 = arith.constant 0 : i32
    %dma_wait3A_442 = arith.constant 0 : i32
    %dma_wait3A_443 = tpu.memref_slice %arg3[%dma_wait3A_441, %dma_wait3A_442] : memref<1000000x128xf32, #tpu.memory_space<hbm>> -> memref<1000000x128xf32, #tpu.memory_space<hbm>>
    tpu.wait_indirect_dma semaphore(%arg7 : memref<!tpu.dma_semaphore, #tpu.memory_space<semaphore_mem>>) src(%dma_wait3A_443 : memref<1000000x128xf32, #tpu.memory_space<hbm>>) dst(%dma_wait3A_437 : memref<96x128xf32, #tpu.memory_space<vmem>>)
    %add3A_444 = arith.constant 124 : i32
    %add3A_445 = arith.addi %mul3A_2, %add3A_444 : i32
    %mul3A_446 = arith.constant 200 : i32
    %mul3A_447 = arith.muli %add3A_445, %mul3A_446 : i32
    %dma_start3A_448 = arith.constant 0 : i32
    %dma_start3A_449 = arith.constant 0 : i32
    %dma_start3A_450 = arith.constant 0 : i32
    %dma_start3A_451 = arith.constant 0 : i32
    %dma_start3A_452 = tpu.memref_slice %arg6[%dma_start3A_448, %dma_start3A_449, %dma_start3A_450, %dma_start3A_451] : memref<4x1x200x128xf32, #tpu.memory_space<vmem>> -> memref<1x1x200x64xf32, #tpu.memory_space<vmem>>
    %dma_start3A_453 = tpu.memref_squeeze %dma_start3A_452 : memref<1x1x200x64xf32, #tpu.memory_space<vmem>> -> memref<200x64xf32, #tpu.memory_space<vmem>>
    %dma_start3A_454 = arith.constant 0 : i32
    %dma_start3A_455 = tpu.memref_slice %arg4[%mul3A_447, %dma_start3A_454] : memref<819200x64xf32, #tpu.memory_space<hbm>> -> memref<200x64xf32, #tpu.memory_space<hbm>>
    %dma_start3A_456 = arith.constant 0 : i32
    %dma_start3A_457 = tpu.memref_slice %arg4[%mul3A_447, %dma_start3A_456] : memref<819200x64xf32, #tpu.memory_space<hbm>> -> memref<200x64xf32, #tpu.memory_space<hbm>>
    %dma_start3A_458 = arith.constant 0 : i32
    %dma_start3A_459 = arith.constant 0 : i32
    %dma_start3A_460 = tpu.memref_slice %arg6[%dma_start3A_448, %dma_start3A_449, %dma_start3A_458, %dma_start3A_459] : memref<4x1x200x128xf32, #tpu.memory_space<vmem>> -> memref<1x1x200x64xf32, #tpu.memory_space<vmem>>
    %dma_start3A_461 = tpu.memref_squeeze %dma_start3A_460 : memref<1x1x200x64xf32, #tpu.memory_space<vmem>> -> memref<200x64xf32, #tpu.memory_space<vmem>>
    tpu.enqueue_dma source(%dma_start3A_461 : memref<200x64xf32, #tpu.memory_space<vmem>>) target(%dma_start3A_457 : memref<200x64xf32, #tpu.memory_space<hbm>>) target_semaphore(%arg11 : memref<!tpu.dma_semaphore, #tpu.memory_space<semaphore_mem>>)
    %add3A_462 = arith.constant 0 : i32
    %add3A_463 = arith.addi %mul3A_2, %add3A_462 : i32
    %mul3A_464 = arith.constant 200 : i32
    %mul3A_465 = arith.muli %add3A_463, %mul3A_464 : i32
    %dma_wait3A_466 = arith.constant 3 : i32
    %dma_wait3A_467 = arith.constant 0 : i32
    %dma_wait3A_468 = arith.constant 0 : i32
    %dma_wait3A_469 = arith.constant 0 : i32
    %dma_wait3A_470 = tpu.memref_slice %arg6[%dma_wait3A_466, %dma_wait3A_467, %dma_wait3A_468, %dma_wait3A_469] : memref<4x1x200x128xf32, #tpu.memory_space<vmem>> -> memref<1x1x200x64xf32, #tpu.memory_space<vmem>>
    %dma_wait3A_471 = tpu.memref_squeeze %dma_wait3A_470 : memref<1x1x200x64xf32, #tpu.memory_space<vmem>> -> memref<200x64xf32, #tpu.memory_space<vmem>>
    %dma_wait3A_472 = arith.constant 0 : i32
    %dma_wait3A_473 = tpu.memref_slice %arg4[%mul3A_465, %dma_wait3A_472] : memref<819200x64xf32, #tpu.memory_space<hbm>> -> memref<200x64xf32, #tpu.memory_space<hbm>>
    %dma_wait3A_474 = arith.constant 0 : i32
    %dma_wait3A_475 = tpu.memref_slice %arg4[%mul3A_465, %dma_wait3A_474] : memref<819200x64xf32, #tpu.memory_space<hbm>> -> memref<200x64xf32, #tpu.memory_space<hbm>>
    %dma_wait3A_476 = arith.constant 0 : i32
    %dma_wait3A_477 = arith.constant 0 : i32
    %dma_wait3A_478 = tpu.memref_slice %arg6[%dma_wait3A_466, %dma_wait3A_467, %dma_wait3A_476, %dma_wait3A_477] : memref<4x1x200x128xf32, #tpu.memory_space<vmem>> -> memref<1x1x200x64xf32, #tpu.memory_space<vmem>>
    %dma_wait3A_479 = tpu.memref_squeeze %dma_wait3A_478 : memref<1x1x200x64xf32, #tpu.memory_space<vmem>> -> memref<200x64xf32, #tpu.memory_space<vmem>>
    tpu.wait_dma2 semaphore(%arg14 : memref<!tpu.dma_semaphore, #tpu.memory_space<semaphore_mem>>) src(%dma_wait3A_479 : memref<200x64xf32, #tpu.memory_space<vmem>>) dst(%dma_wait3A_475 : memref<200x64xf32, #tpu.memory_space<hbm>>)
    %dma_start3A_480 = arith.constant 127 : i32
    %dma_start3A_481 = arith.constant 3 : i32
    %dma_start3A_482 = arith.constant 0 : i32
    %dma_start3A_483 = arith.constant 0 : i32
    %dma_start3A_484 = arith.constant 0 : i32
    %dma_start3A_485 = tpu.memref_slice %arg6[%dma_start3A_481, %dma_start3A_482, %dma_start3A_483, %dma_start3A_484] : memref<4x1x200x128xf32, #tpu.memory_space<vmem>> -> memref<1x1x104x128xf32, #tpu.memory_space<vmem>>
    %dma_start3A_486 = tpu.memref_squeeze %dma_start3A_485 : memref<1x1x104x128xf32, #tpu.memory_space<vmem>> -> memref<104x128xf32, #tpu.memory_space<vmem>>
    %dma_start3A_487 = arith.constant 0 : i32
    %dma_start3A_488 = tpu.memref_slice %arg5[%dma_start3A_480, %dma_start3A_487] : memref<128x200xi32, #tpu.memory_space<vmem>> -> memref<1x104xi32, #tpu.memory_space<vmem>>
    %dma_start3A_489 = tpu.memref_squeeze %dma_start3A_488 : memref<1x104xi32, #tpu.memory_space<vmem>> -> memref<104xi32, #tpu.memory_space<vmem>>
    %dma_start3A_490 = arith.constant 0 : i32
    %dma_start3A_491 = arith.constant 0 : i32
    %dma_start3A_492 = tpu.memref_slice %arg3[%dma_start3A_490, %dma_start3A_491] : memref<1000000x128xf32, #tpu.memory_space<hbm>> -> memref<1000000x128xf32, #tpu.memory_space<hbm>>
    tpu.enqueue_indirect_dma source(%dma_start3A_492 : memref<1000000x128xf32, #tpu.memory_space<hbm>>) target(%dma_start3A_486 : memref<104x128xf32, #tpu.memory_space<vmem>>) offsets(%dma_start3A_489 : memref<104xi32, #tpu.memory_space<vmem>>) semaphore(%arg10 : memref<!tpu.dma_semaphore, #tpu.memory_space<semaphore_mem>>)
    %dma_start3A_493 = arith.constant 127 : i32
    %dma_start3A_494 = arith.constant 3 : i32
    %dma_start3A_495 = arith.constant 0 : i32
    %dma_start3A_496 = arith.constant 104 : i32
    %dma_start3A_497 = arith.constant 0 : i32
    %dma_start3A_498 = tpu.memref_slice %arg6[%dma_start3A_494, %dma_start3A_495, %dma_start3A_496, %dma_start3A_497] : memref<4x1x200x128xf32, #tpu.memory_space<vmem>> -> memref<1x1x96x128xf32, #tpu.memory_space<vmem>>
    %dma_start3A_499 = tpu.memref_squeeze %dma_start3A_498 : memref<1x1x96x128xf32, #tpu.memory_space<vmem>> -> memref<96x128xf32, #tpu.memory_space<vmem>>
    %dma_start3A_500 = arith.constant 104 : i32
    %dma_start3A_501 = tpu.memref_slice %arg5[%dma_start3A_493, %dma_start3A_500] : memref<128x200xi32, #tpu.memory_space<vmem>> -> memref<1x96xi32, #tpu.memory_space<vmem>>
    %dma_start3A_502 = tpu.memref_squeeze %dma_start3A_501 : memref<1x96xi32, #tpu.memory_space<vmem>> -> memref<96xi32, #tpu.memory_space<vmem>>
    %dma_start3A_503 = arith.constant 0 : i32
    %dma_start3A_504 = arith.constant 0 : i32
    %dma_start3A_505 = tpu.memref_slice %arg3[%dma_start3A_503, %dma_start3A_504] : memref<1000000x128xf32, #tpu.memory_space<hbm>> -> memref<1000000x128xf32, #tpu.memory_space<hbm>>
    tpu.enqueue_indirect_dma source(%dma_start3A_505 : memref<1000000x128xf32, #tpu.memory_space<hbm>>) target(%dma_start3A_499 : memref<96x128xf32, #tpu.memory_space<vmem>>) offsets(%dma_start3A_502 : memref<96xi32, #tpu.memory_space<vmem>>) semaphore(%arg10 : memref<!tpu.dma_semaphore, #tpu.memory_space<semaphore_mem>>)
    %dma_wait3A_506 = arith.constant 0 : i32
    %dma_wait3A_507 = arith.constant 1 : i32
    %dma_wait3A_508 = arith.constant 0 : i32
    %dma_wait3A_509 = arith.constant 0 : i32
    %dma_wait3A_510 = arith.constant 0 : i32
    %dma_wait3A_511 = tpu.memref_slice %arg6[%dma_wait3A_507, %dma_wait3A_508, %dma_wait3A_509, %dma_wait3A_510] : memref<4x1x200x128xf32, #tpu.memory_space<vmem>> -> memref<1x1x104x128xf32, #tpu.memory_space<vmem>>
    %dma_wait3A_512 = tpu.memref_squeeze %dma_wait3A_511 : memref<1x1x104x128xf32, #tpu.memory_space<vmem>> -> memref<104x128xf32, #tpu.memory_space<vmem>>
    %dma_wait3A_513 = arith.constant 0 : i32
    %dma_wait3A_514 = tpu.memref_slice %arg5[%dma_wait3A_506, %dma_wait3A_513] : memref<128x200xi32, #tpu.memory_space<vmem>> -> memref<1x104xi32, #tpu.memory_space<vmem>>
    %dma_wait3A_515 = tpu.memref_squeeze %dma_wait3A_514 : memref<1x104xi32, #tpu.memory_space<vmem>> -> memref<104xi32, #tpu.memory_space<vmem>>
    %dma_wait3A_516 = arith.constant 0 : i32
    %dma_wait3A_517 = arith.constant 0 : i32
    %dma_wait3A_518 = tpu.memref_slice %arg3[%dma_wait3A_516, %dma_wait3A_517] : memref<1000000x128xf32, #tpu.memory_space<hbm>> -> memref<1000000x128xf32, #tpu.memory_space<hbm>>
    tpu.wait_indirect_dma semaphore(%arg8 : memref<!tpu.dma_semaphore, #tpu.memory_space<semaphore_mem>>) src(%dma_wait3A_518 : memref<1000000x128xf32, #tpu.memory_space<hbm>>) dst(%dma_wait3A_512 : memref<104x128xf32, #tpu.memory_space<vmem>>)
    %dma_wait3A_519 = arith.constant 0 : i32
    %dma_wait3A_520 = arith.constant 1 : i32
    %dma_wait3A_521 = arith.constant 0 : i32
    %dma_wait3A_522 = arith.constant 104 : i32
    %dma_wait3A_523 = arith.constant 0 : i32
    %dma_wait3A_524 = tpu.memref_slice %arg6[%dma_wait3A_520, %dma_wait3A_521, %dma_wait3A_522, %dma_wait3A_523] : memref<4x1x200x128xf32, #tpu.memory_space<vmem>> -> memref<1x1x96x128xf32, #tpu.memory_space<vmem>>
    %dma_wait3A_525 = tpu.memref_squeeze %dma_wait3A_524 : memref<1x1x96x128xf32, #tpu.memory_space<vmem>> -> memref<96x128xf32, #tpu.memory_space<vmem>>
    %dma_wait3A_526 = arith.constant 104 : i32
    %dma_wait3A_527 = tpu.memref_slice %arg5[%dma_wait3A_519, %dma_wait3A_526] : memref<128x200xi32, #tpu.memory_space<vmem>> -> memref<1x96xi32, #tpu.memory_space<vmem>>
    %dma_wait3A_528 = tpu.memref_squeeze %dma_wait3A_527 : memref<1x96xi32, #tpu.memory_space<vmem>> -> memref<96xi32, #tpu.memory_space<vmem>>
    %dma_wait3A_529 = arith.constant 0 : i32
    %dma_wait3A_530 = arith.constant 0 : i32
    %dma_wait3A_531 = tpu.memref_slice %arg3[%dma_wait3A_529, %dma_wait3A_530] : memref<1000000x128xf32, #tpu.memory_space<hbm>> -> memref<1000000x128xf32, #tpu.memory_space<hbm>>
    tpu.wait_indirect_dma semaphore(%arg8 : memref<!tpu.dma_semaphore, #tpu.memory_space<semaphore_mem>>) src(%dma_wait3A_531 : memref<1000000x128xf32, #tpu.memory_space<hbm>>) dst(%dma_wait3A_525 : memref<96x128xf32, #tpu.memory_space<vmem>>)
    %add3A_532 = arith.constant 125 : i32
    %add3A_533 = arith.addi %mul3A_2, %add3A_532 : i32
    %mul3A_534 = arith.constant 200 : i32
    %mul3A_535 = arith.muli %add3A_533, %mul3A_534 : i32
    %dma_start3A_536 = arith.constant 1 : i32
    %dma_start3A_537 = arith.constant 0 : i32
    %dma_start3A_538 = arith.constant 0 : i32
    %dma_start3A_539 = arith.constant 0 : i32
    %dma_start3A_540 = tpu.memref_slice %arg6[%dma_start3A_536, %dma_start3A_537, %dma_start3A_538, %dma_start3A_539] : memref<4x1x200x128xf32, #tpu.memory_space<vmem>> -> memref<1x1x200x64xf32, #tpu.memory_space<vmem>>
    %dma_start3A_541 = tpu.memref_squeeze %dma_start3A_540 : memref<1x1x200x64xf32, #tpu.memory_space<vmem>> -> memref<200x64xf32, #tpu.memory_space<vmem>>
    %dma_start3A_542 = arith.constant 0 : i32
    %dma_start3A_543 = tpu.memref_slice %arg4[%mul3A_535, %dma_start3A_542] : memref<819200x64xf32, #tpu.memory_space<hbm>> -> memref<200x64xf32, #tpu.memory_space<hbm>>
    %dma_start3A_544 = arith.constant 0 : i32
    %dma_start3A_545 = tpu.memref_slice %arg4[%mul3A_535, %dma_start3A_544] : memref<819200x64xf32, #tpu.memory_space<hbm>> -> memref<200x64xf32, #tpu.memory_space<hbm>>
    %dma_start3A_546 = arith.constant 0 : i32
    %dma_start3A_547 = arith.constant 0 : i32
    %dma_start3A_548 = tpu.memref_slice %arg6[%dma_start3A_536, %dma_start3A_537, %dma_start3A_546, %dma_start3A_547] : memref<4x1x200x128xf32, #tpu.memory_space<vmem>> -> memref<1x1x200x64xf32, #tpu.memory_space<vmem>>
    %dma_start3A_549 = tpu.memref_squeeze %dma_start3A_548 : memref<1x1x200x64xf32, #tpu.memory_space<vmem>> -> memref<200x64xf32, #tpu.memory_space<vmem>>
    tpu.enqueue_dma source(%dma_start3A_549 : memref<200x64xf32, #tpu.memory_space<vmem>>) target(%dma_start3A_545 : memref<200x64xf32, #tpu.memory_space<hbm>>) target_semaphore(%arg12 : memref<!tpu.dma_semaphore, #tpu.memory_space<semaphore_mem>>)
    %add3A_550 = arith.constant 0 : i32
    %add3A_551 = arith.addi %mul3A_2, %add3A_550 : i32
    %mul3A_552 = arith.constant 200 : i32
    %mul3A_553 = arith.muli %add3A_551, %mul3A_552 : i32
    %dma_wait3A_554 = arith.constant 0 : i32
    %dma_wait3A_555 = arith.constant 0 : i32
    %dma_wait3A_556 = arith.constant 0 : i32
    %dma_wait3A_557 = arith.constant 0 : i32
    %dma_wait3A_558 = tpu.memref_slice %arg6[%dma_wait3A_554, %dma_wait3A_555, %dma_wait3A_556, %dma_wait3A_557] : memref<4x1x200x128xf32, #tpu.memory_space<vmem>> -> memref<1x1x200x64xf32, #tpu.memory_space<vmem>>
    %dma_wait3A_559 = tpu.memref_squeeze %dma_wait3A_558 : memref<1x1x200x64xf32, #tpu.memory_space<vmem>> -> memref<200x64xf32, #tpu.memory_space<vmem>>
    %dma_wait3A_560 = arith.constant 0 : i32
    %dma_wait3A_561 = tpu.memref_slice %arg4[%mul3A_553, %dma_wait3A_560] : memref<819200x64xf32, #tpu.memory_space<hbm>> -> memref<200x64xf32, #tpu.memory_space<hbm>>
    %dma_wait3A_562 = arith.constant 0 : i32
    %dma_wait3A_563 = tpu.memref_slice %arg4[%mul3A_553, %dma_wait3A_562] : memref<819200x64xf32, #tpu.memory_space<hbm>> -> memref<200x64xf32, #tpu.memory_space<hbm>>
    %dma_wait3A_564 = arith.constant 0 : i32
    %dma_wait3A_565 = arith.constant 0 : i32
    %dma_wait3A_566 = tpu.memref_slice %arg6[%dma_wait3A_554, %dma_wait3A_555, %dma_wait3A_564, %dma_wait3A_565] : memref<4x1x200x128xf32, #tpu.memory_space<vmem>> -> memref<1x1x200x64xf32, #tpu.memory_space<vmem>>
    %dma_wait3A_567 = tpu.memref_squeeze %dma_wait3A_566 : memref<1x1x200x64xf32, #tpu.memory_space<vmem>> -> memref<200x64xf32, #tpu.memory_space<vmem>>
    tpu.wait_dma2 semaphore(%arg11 : memref<!tpu.dma_semaphore, #tpu.memory_space<semaphore_mem>>) src(%dma_wait3A_567 : memref<200x64xf32, #tpu.memory_space<vmem>>) dst(%dma_wait3A_563 : memref<200x64xf32, #tpu.memory_space<hbm>>)
    %dma_wait3A_568 = arith.constant 0 : i32
    %dma_wait3A_569 = arith.constant 2 : i32
    %dma_wait3A_570 = arith.constant 0 : i32
    %dma_wait3A_571 = arith.constant 0 : i32
    %dma_wait3A_572 = arith.constant 0 : i32
    %dma_wait3A_573 = tpu.memref_slice %arg6[%dma_wait3A_569, %dma_wait3A_570, %dma_wait3A_571, %dma_wait3A_572] : memref<4x1x200x128xf32, #tpu.memory_space<vmem>> -> memref<1x1x104x128xf32, #tpu.memory_space<vmem>>
    %dma_wait3A_574 = tpu.memref_squeeze %dma_wait3A_573 : memref<1x1x104x128xf32, #tpu.memory_space<vmem>> -> memref<104x128xf32, #tpu.memory_space<vmem>>
    %dma_wait3A_575 = arith.constant 0 : i32
    %dma_wait3A_576 = tpu.memref_slice %arg5[%dma_wait3A_568, %dma_wait3A_575] : memref<128x200xi32, #tpu.memory_space<vmem>> -> memref<1x104xi32, #tpu.memory_space<vmem>>
    %dma_wait3A_577 = tpu.memref_squeeze %dma_wait3A_576 : memref<1x104xi32, #tpu.memory_space<vmem>> -> memref<104xi32, #tpu.memory_space<vmem>>
    %dma_wait3A_578 = arith.constant 0 : i32
    %dma_wait3A_579 = arith.constant 0 : i32
    %dma_wait3A_580 = tpu.memref_slice %arg3[%dma_wait3A_578, %dma_wait3A_579] : memref<1000000x128xf32, #tpu.memory_space<hbm>> -> memref<1000000x128xf32, #tpu.memory_space<hbm>>
    tpu.wait_indirect_dma semaphore(%arg9 : memref<!tpu.dma_semaphore, #tpu.memory_space<semaphore_mem>>) src(%dma_wait3A_580 : memref<1000000x128xf32, #tpu.memory_space<hbm>>) dst(%dma_wait3A_574 : memref<104x128xf32, #tpu.memory_space<vmem>>)
    %dma_wait3A_581 = arith.constant 0 : i32
    %dma_wait3A_582 = arith.constant 2 : i32
    %dma_wait3A_583 = arith.constant 0 : i32
    %dma_wait3A_584 = arith.constant 104 : i32
    %dma_wait3A_585 = arith.constant 0 : i32
    %dma_wait3A_586 = tpu.memref_slice %arg6[%dma_wait3A_582, %dma_wait3A_583, %dma_wait3A_584, %dma_wait3A_585] : memref<4x1x200x128xf32, #tpu.memory_space<vmem>> -> memref<1x1x96x128xf32, #tpu.memory_space<vmem>>
    %dma_wait3A_587 = tpu.memref_squeeze %dma_wait3A_586 : memref<1x1x96x128xf32, #tpu.memory_space<vmem>> -> memref<96x128xf32, #tpu.memory_space<vmem>>
    %dma_wait3A_588 = arith.constant 104 : i32
    %dma_wait3A_589 = tpu.memref_slice %arg5[%dma_wait3A_581, %dma_wait3A_588] : memref<128x200xi32, #tpu.memory_space<vmem>> -> memref<1x96xi32, #tpu.memory_space<vmem>>
    %dma_wait3A_590 = tpu.memref_squeeze %dma_wait3A_589 : memref<1x96xi32, #tpu.memory_space<vmem>> -> memref<96xi32, #tpu.memory_space<vmem>>
    %dma_wait3A_591 = arith.constant 0 : i32
    %dma_wait3A_592 = arith.constant 0 : i32
    %dma_wait3A_593 = tpu.memref_slice %arg3[%dma_wait3A_591, %dma_wait3A_592] : memref<1000000x128xf32, #tpu.memory_space<hbm>> -> memref<1000000x128xf32, #tpu.memory_space<hbm>>
    tpu.wait_indirect_dma semaphore(%arg9 : memref<!tpu.dma_semaphore, #tpu.memory_space<semaphore_mem>>) src(%dma_wait3A_593 : memref<1000000x128xf32, #tpu.memory_space<hbm>>) dst(%dma_wait3A_587 : memref<96x128xf32, #tpu.memory_space<vmem>>)
    %add3A_594 = arith.constant 126 : i32
    %add3A_595 = arith.addi %mul3A_2, %add3A_594 : i32
    %mul3A_596 = arith.constant 200 : i32
    %mul3A_597 = arith.muli %add3A_595, %mul3A_596 : i32
    %dma_start3A_598 = arith.constant 2 : i32
    %dma_start3A_599 = arith.constant 0 : i32
    %dma_start3A_600 = arith.constant 0 : i32
    %dma_start3A_601 = arith.constant 0 : i32
    %dma_start3A_602 = tpu.memref_slice %arg6[%dma_start3A_598, %dma_start3A_599, %dma_start3A_600, %dma_start3A_601] : memref<4x1x200x128xf32, #tpu.memory_space<vmem>> -> memref<1x1x200x64xf32, #tpu.memory_space<vmem>>
    %dma_start3A_603 = tpu.memref_squeeze %dma_start3A_602 : memref<1x1x200x64xf32, #tpu.memory_space<vmem>> -> memref<200x64xf32, #tpu.memory_space<vmem>>
    %dma_start3A_604 = arith.constant 0 : i32
    %dma_start3A_605 = tpu.memref_slice %arg4[%mul3A_597, %dma_start3A_604] : memref<819200x64xf32, #tpu.memory_space<hbm>> -> memref<200x64xf32, #tpu.memory_space<hbm>>
    %dma_start3A_606 = arith.constant 0 : i32
    %dma_start3A_607 = tpu.memref_slice %arg4[%mul3A_597, %dma_start3A_606] : memref<819200x64xf32, #tpu.memory_space<hbm>> -> memref<200x64xf32, #tpu.memory_space<hbm>>
    %dma_start3A_608 = arith.constant 0 : i32
    %dma_start3A_609 = arith.constant 0 : i32
    %dma_start3A_610 = tpu.memref_slice %arg6[%dma_start3A_598, %dma_start3A_599, %dma_start3A_608, %dma_start3A_609] : memref<4x1x200x128xf32, #tpu.memory_space<vmem>> -> memref<1x1x200x64xf32, #tpu.memory_space<vmem>>
    %dma_start3A_611 = tpu.memref_squeeze %dma_start3A_610 : memref<1x1x200x64xf32, #tpu.memory_space<vmem>> -> memref<200x64xf32, #tpu.memory_space<vmem>>
    tpu.enqueue_dma source(%dma_start3A_611 : memref<200x64xf32, #tpu.memory_space<vmem>>) target(%dma_start3A_607 : memref<200x64xf32, #tpu.memory_space<hbm>>) target_semaphore(%arg13 : memref<!tpu.dma_semaphore, #tpu.memory_space<semaphore_mem>>)
    %add3A_612 = arith.constant 0 : i32
    %add3A_613 = arith.addi %mul3A_2, %add3A_612 : i32
    %mul3A_614 = arith.constant 200 : i32
    %mul3A_615 = arith.muli %add3A_613, %mul3A_614 : i32
    %dma_wait3A_616 = arith.constant 1 : i32
    %dma_wait3A_617 = arith.constant 0 : i32
    %dma_wait3A_618 = arith.constant 0 : i32
    %dma_wait3A_619 = arith.constant 0 : i32
    %dma_wait3A_620 = tpu.memref_slice %arg6[%dma_wait3A_616, %dma_wait3A_617, %dma_wait3A_618, %dma_wait3A_619] : memref<4x1x200x128xf32, #tpu.memory_space<vmem>> -> memref<1x1x200x64xf32, #tpu.memory_space<vmem>>
    %dma_wait3A_621 = tpu.memref_squeeze %dma_wait3A_620 : memref<1x1x200x64xf32, #tpu.memory_space<vmem>> -> memref<200x64xf32, #tpu.memory_space<vmem>>
    %dma_wait3A_622 = arith.constant 0 : i32
    %dma_wait3A_623 = tpu.memref_slice %arg4[%mul3A_615, %dma_wait3A_622] : memref<819200x64xf32, #tpu.memory_space<hbm>> -> memref<200x64xf32, #tpu.memory_space<hbm>>
    %dma_wait3A_624 = arith.constant 0 : i32
    %dma_wait3A_625 = tpu.memref_slice %arg4[%mul3A_615, %dma_wait3A_624] : memref<819200x64xf32, #tpu.memory_space<hbm>> -> memref<200x64xf32, #tpu.memory_space<hbm>>
    %dma_wait3A_626 = arith.constant 0 : i32
    %dma_wait3A_627 = arith.constant 0 : i32
    %dma_wait3A_628 = tpu.memref_slice %arg6[%dma_wait3A_616, %dma_wait3A_617, %dma_wait3A_626, %dma_wait3A_627] : memref<4x1x200x128xf32, #tpu.memory_space<vmem>> -> memref<1x1x200x64xf32, #tpu.memory_space<vmem>>
    %dma_wait3A_629 = tpu.memref_squeeze %dma_wait3A_628 : memref<1x1x200x64xf32, #tpu.memory_space<vmem>> -> memref<200x64xf32, #tpu.memory_space<vmem>>
    tpu.wait_dma2 semaphore(%arg12 : memref<!tpu.dma_semaphore, #tpu.memory_space<semaphore_mem>>) src(%dma_wait3A_629 : memref<200x64xf32, #tpu.memory_space<vmem>>) dst(%dma_wait3A_625 : memref<200x64xf32, #tpu.memory_space<hbm>>)
    %dma_wait3A_630 = arith.constant 0 : i32
    %dma_wait3A_631 = arith.constant 3 : i32
    %dma_wait3A_632 = arith.constant 0 : i32
    %dma_wait3A_633 = arith.constant 0 : i32
    %dma_wait3A_634 = arith.constant 0 : i32
    %dma_wait3A_635 = tpu.memref_slice %arg6[%dma_wait3A_631, %dma_wait3A_632, %dma_wait3A_633, %dma_wait3A_634] : memref<4x1x200x128xf32, #tpu.memory_space<vmem>> -> memref<1x1x104x128xf32, #tpu.memory_space<vmem>>
    %dma_wait3A_636 = tpu.memref_squeeze %dma_wait3A_635 : memref<1x1x104x128xf32, #tpu.memory_space<vmem>> -> memref<104x128xf32, #tpu.memory_space<vmem>>
    %dma_wait3A_637 = arith.constant 0 : i32
    %dma_wait3A_638 = tpu.memref_slice %arg5[%dma_wait3A_630, %dma_wait3A_637] : memref<128x200xi32, #tpu.memory_space<vmem>> -> memref<1x104xi32, #tpu.memory_space<vmem>>
    %dma_wait3A_639 = tpu.memref_squeeze %dma_wait3A_638 : memref<1x104xi32, #tpu.memory_space<vmem>> -> memref<104xi32, #tpu.memory_space<vmem>>
    %dma_wait3A_640 = arith.constant 0 : i32
    %dma_wait3A_641 = arith.constant 0 : i32
    %dma_wait3A_642 = tpu.memref_slice %arg3[%dma_wait3A_640, %dma_wait3A_641] : memref<1000000x128xf32, #tpu.memory_space<hbm>> -> memref<1000000x128xf32, #tpu.memory_space<hbm>>
    tpu.wait_indirect_dma semaphore(%arg10 : memref<!tpu.dma_semaphore, #tpu.memory_space<semaphore_mem>>) src(%dma_wait3A_642 : memref<1000000x128xf32, #tpu.memory_space<hbm>>) dst(%dma_wait3A_636 : memref<104x128xf32, #tpu.memory_space<vmem>>)
    %dma_wait3A_643 = arith.constant 0 : i32
    %dma_wait3A_644 = arith.constant 3 : i32
    %dma_wait3A_645 = arith.constant 0 : i32
    %dma_wait3A_646 = arith.constant 104 : i32
    %dma_wait3A_647 = arith.constant 0 : i32
    %dma_wait3A_648 = tpu.memref_slice %arg6[%dma_wait3A_644, %dma_wait3A_645, %dma_wait3A_646, %dma_wait3A_647] : memref<4x1x200x128xf32, #tpu.memory_space<vmem>> -> memref<1x1x96x128xf32, #tpu.memory_space<vmem>>
    %dma_wait3A_649 = tpu.memref_squeeze %dma_wait3A_648 : memref<1x1x96x128xf32, #tpu.memory_space<vmem>> -> memref<96x128xf32, #tpu.memory_space<vmem>>
    %dma_wait3A_650 = arith.constant 104 : i32
    %dma_wait3A_651 = tpu.memref_slice %arg5[%dma_wait3A_643, %dma_wait3A_650] : memref<128x200xi32, #tpu.memory_space<vmem>> -> memref<1x96xi32, #tpu.memory_space<vmem>>
    %dma_wait3A_652 = tpu.memref_squeeze %dma_wait3A_651 : memref<1x96xi32, #tpu.memory_space<vmem>> -> memref<96xi32, #tpu.memory_space<vmem>>
    %dma_wait3A_653 = arith.constant 0 : i32
    %dma_wait3A_654 = arith.constant 0 : i32
    %dma_wait3A_655 = tpu.memref_slice %arg3[%dma_wait3A_653, %dma_wait3A_654] : memref<1000000x128xf32, #tpu.memory_space<hbm>> -> memref<1000000x128xf32, #tpu.memory_space<hbm>>
    tpu.wait_indirect_dma semaphore(%arg10 : memref<!tpu.dma_semaphore, #tpu.memory_space<semaphore_mem>>) src(%dma_wait3A_655 : memref<1000000x128xf32, #tpu.memory_space<hbm>>) dst(%dma_wait3A_649 : memref<96x128xf32, #tpu.memory_space<vmem>>)
    %add3A_656 = arith.constant 127 : i32
    %add3A_657 = arith.addi %mul3A_2, %add3A_656 : i32
    %mul3A_658 = arith.constant 200 : i32
    %mul3A_659 = arith.muli %add3A_657, %mul3A_658 : i32
    %dma_start3A_660 = arith.constant 3 : i32
    %dma_start3A_661 = arith.constant 0 : i32
    %dma_start3A_662 = arith.constant 0 : i32
    %dma_start3A_663 = arith.constant 0 : i32
    %dma_start3A_664 = tpu.memref_slice %arg6[%dma_start3A_660, %dma_start3A_661, %dma_start3A_662, %dma_start3A_663] : memref<4x1x200x128xf32, #tpu.memory_space<vmem>> -> memref<1x1x200x64xf32, #tpu.memory_space<vmem>>
    %dma_start3A_665 = tpu.memref_squeeze %dma_start3A_664 : memref<1x1x200x64xf32, #tpu.memory_space<vmem>> -> memref<200x64xf32, #tpu.memory_space<vmem>>
    %dma_start3A_666 = arith.constant 0 : i32
    %dma_start3A_667 = tpu.memref_slice %arg4[%mul3A_659, %dma_start3A_666] : memref<819200x64xf32, #tpu.memory_space<hbm>> -> memref<200x64xf32, #tpu.memory_space<hbm>>
    %dma_start3A_668 = arith.constant 0 : i32
    %dma_start3A_669 = tpu.memref_slice %arg4[%mul3A_659, %dma_start3A_668] : memref<819200x64xf32, #tpu.memory_space<hbm>> -> memref<200x64xf32, #tpu.memory_space<hbm>>
    %dma_start3A_670 = arith.constant 0 : i32
    %dma_start3A_671 = arith.constant 0 : i32
    %dma_start3A_672 = tpu.memref_slice %arg6[%dma_start3A_660, %dma_start3A_661, %dma_start3A_670, %dma_start3A_671] : memref<4x1x200x128xf32, #tpu.memory_space<vmem>> -> memref<1x1x200x64xf32, #tpu.memory_space<vmem>>
    %dma_start3A_673 = tpu.memref_squeeze %dma_start3A_672 : memref<1x1x200x64xf32, #tpu.memory_space<vmem>> -> memref<200x64xf32, #tpu.memory_space<vmem>>
    tpu.enqueue_dma source(%dma_start3A_673 : memref<200x64xf32, #tpu.memory_space<vmem>>) target(%dma_start3A_669 : memref<200x64xf32, #tpu.memory_space<hbm>>) target_semaphore(%arg14 : memref<!tpu.dma_semaphore, #tpu.memory_space<semaphore_mem>>)
    %add3A_674 = arith.constant 0 : i32
    %add3A_675 = arith.addi %mul3A_2, %add3A_674 : i32
    %mul3A_676 = arith.constant 200 : i32
    %mul3A_677 = arith.muli %add3A_675, %mul3A_676 : i32
    %dma_wait3A_678 = arith.constant 2 : i32
    %dma_wait3A_679 = arith.constant 0 : i32
    %dma_wait3A_680 = arith.constant 0 : i32
    %dma_wait3A_681 = arith.constant 0 : i32
    %dma_wait3A_682 = tpu.memref_slice %arg6[%dma_wait3A_678, %dma_wait3A_679, %dma_wait3A_680, %dma_wait3A_681] : memref<4x1x200x128xf32, #tpu.memory_space<vmem>> -> memref<1x1x200x64xf32, #tpu.memory_space<vmem>>
    %dma_wait3A_683 = tpu.memref_squeeze %dma_wait3A_682 : memref<1x1x200x64xf32, #tpu.memory_space<vmem>> -> memref<200x64xf32, #tpu.memory_space<vmem>>
    %dma_wait3A_684 = arith.constant 0 : i32
    %dma_wait3A_685 = tpu.memref_slice %arg4[%mul3A_677, %dma_wait3A_684] : memref<819200x64xf32, #tpu.memory_space<hbm>> -> memref<200x64xf32, #tpu.memory_space<hbm>>
    %dma_wait3A_686 = arith.constant 0 : i32
    %dma_wait3A_687 = tpu.memref_slice %arg4[%mul3A_677, %dma_wait3A_686] : memref<819200x64xf32, #tpu.memory_space<hbm>> -> memref<200x64xf32, #tpu.memory_space<hbm>>
    %dma_wait3A_688 = arith.constant 0 : i32
    %dma_wait3A_689 = arith.constant 0 : i32
    %dma_wait3A_690 = tpu.memref_slice %arg6[%dma_wait3A_678, %dma_wait3A_679, %dma_wait3A_688, %dma_wait3A_689] : memref<4x1x200x128xf32, #tpu.memory_space<vmem>> -> memref<1x1x200x64xf32, #tpu.memory_space<vmem>>
    %dma_wait3A_691 = tpu.memref_squeeze %dma_wait3A_690 : memref<1x1x200x64xf32, #tpu.memory_space<vmem>> -> memref<200x64xf32, #tpu.memory_space<vmem>>
    tpu.wait_dma2 semaphore(%arg13 : memref<!tpu.dma_semaphore, #tpu.memory_space<semaphore_mem>>) src(%dma_wait3A_691 : memref<200x64xf32, #tpu.memory_space<vmem>>) dst(%dma_wait3A_687 : memref<200x64xf32, #tpu.memory_space<hbm>>)
    %add3A_692 = arith.constant 0 : i32
    %add3A_693 = arith.addi %mul3A_2, %add3A_692 : i32
    %mul3A_694 = arith.constant 200 : i32
    %mul3A_695 = arith.muli %add3A_693, %mul3A_694 : i32
    %dma_wait3A_696 = arith.constant 3 : i32
    %dma_wait3A_697 = arith.constant 0 : i32
    %dma_wait3A_698 = arith.constant 0 : i32
    %dma_wait3A_699 = arith.constant 0 : i32
    %dma_wait3A_700 = tpu.memref_slice %arg6[%dma_wait3A_696, %dma_wait3A_697, %dma_wait3A_698, %dma_wait3A_699] : memref<4x1x200x128xf32, #tpu.memory_space<vmem>> -> memref<1x1x200x64xf32, #tpu.memory_space<vmem>>
    %dma_wait3A_701 = tpu.memref_squeeze %dma_wait3A_700 : memref<1x1x200x64xf32, #tpu.memory_space<vmem>> -> memref<200x64xf32, #tpu.memory_space<vmem>>
    %dma_wait3A_702 = arith.constant 0 : i32
    %dma_wait3A_703 = tpu.memref_slice %arg4[%mul3A_695, %dma_wait3A_702] : memref<819200x64xf32, #tpu.memory_space<hbm>> -> memref<200x64xf32, #tpu.memory_space<hbm>>
    %dma_wait3A_704 = arith.constant 0 : i32
    %dma_wait3A_705 = tpu.memref_slice %arg4[%mul3A_695, %dma_wait3A_704] : memref<819200x64xf32, #tpu.memory_space<hbm>> -> memref<200x64xf32, #tpu.memory_space<hbm>>
    %dma_wait3A_706 = arith.constant 0 : i32
    %dma_wait3A_707 = arith.constant 0 : i32
    %dma_wait3A_708 = tpu.memref_slice %arg6[%dma_wait3A_696, %dma_wait3A_697, %dma_wait3A_706, %dma_wait3A_707] : memref<4x1x200x128xf32, #tpu.memory_space<vmem>> -> memref<1x1x200x64xf32, #tpu.memory_space<vmem>>
    %dma_wait3A_709 = tpu.memref_squeeze %dma_wait3A_708 : memref<1x1x200x64xf32, #tpu.memory_space<vmem>> -> memref<200x64xf32, #tpu.memory_space<vmem>>
    tpu.wait_dma2 semaphore(%arg14 : memref<!tpu.dma_semaphore, #tpu.memory_space<semaphore_mem>>) src(%dma_wait3A_709 : memref<200x64xf32, #tpu.memory_space<vmem>>) dst(%dma_wait3A_705 : memref<200x64xf32, #tpu.memory_space<hbm>>)
    return
  }
}

</mosaic_0001>

<sc_bundles>
// kernel: kernel.3.cloned.1.call-start
scs
__scs_entry_jumppad:
0x0: {  	(pc) =	sbr.rel $0x88, $3  }
0x1: {  	(tag) =	ssettag $0x0;
	lr =	simm.s32 $0x1  }
0x2: {  	[smem:$0x3F9F] =	sst lr;
	_ =	strace $0xD0000000  }
0x3: {  	_ = 	snop  }
0x4: {  	_ = 	snop  }
0x5: {  	_ = 	snop  }
0x6: {  	_ = 	snop  }
0x7: {  	_ = 	snop  }
__scs_overlays_trampoline_lowered:
0x8: {  	[smem:$0x3FAE] =	sst s0  }
0x9: {  	[smem:$0x3FAF] =	sst s1  }
0xa: {  	[smem:$0x3FB0] =	sst s2  }
0xb: {  	[smem:$0x3FB1] =	sst s3  }
0xc: {  	[smem:$0x3FB2] =	sst s4  }
0xd: {  	[smem:$0x3FB3] =	sst s5  }
0xe: {  	[smem:$0x3FB4] =	sst s6  }
0xf: {  	[smem:$0x3FB5] =	sst s7  }
0x10: {  	[smem:$0x3FB6] =	sst s8  }
0x11: {  	[smem:$0x3FB7] =	sst s9;
	s0 =	simm.s32 @!p0 $0x0  }
0x12: {  	s1 =	sld [smem:$0x3F9D];
	s0 =	simm.s32 @p0 $0x1  }
0x13: {  	[smem:$0x3FB8] =	sst s0;
	s0 =	simm.s32 @!p1 $0x0  }
0x14: {  	s2 =	sld [smem:$0x3F9C];
	s0 =	simm.s32 @p1 $0x1  }
0x15: {  	[smem:$0x3FB9] =	sst s0;
	s0 =	simm.s32 @!p2 $0x0  }
0x16: {  	s3 =	sld [smem:$0x3FDB];
	s0 =	simm.s32 @p2 $0x1  }
0x17: {  	s4 =	simm.s32 $0x1BF5;
	[smem:$0x3FBB] =	sst s0  }
0x18: {  	s0 =	sld [smem:$0x3F9E];
	_ =	swait.ge [sflag:s4], $0x0  }
0x19: {  	s7 =	sld [smem:$0x3F9F]  }
0x1a: {  	s8 =	sadd.s32 $0xFFFFE003, lr  }
0x1b: {  	s9 =	sadd.s32 $0xFFFFFEF7, lr;
	s5 =	simm.s32 $0xFFFFFFFF;
	p2 =	slt.u32 s8, $0xFFFFF086  }
0x1c: {  	p1 =	slt.u32 s9, $0xF7A;
	s5 =	simm.s32 @!p2 $0x0  }
0x1d: {  	s5 =	simm.s32 @p1 $0x1;
	p0 =	seq.s32 s7, s2  }
0x1e: {  	s7 =	smul.u32 @!p0 $0xF7A, s2;
	p2 =	seq.s32 @!p0 s5, $0x0  }
0x1f: {  	s9 =	smul.u32 $0xF7A, s1;
	s8 =	simm.s32 @!p0 $0x1BF5;
	p2 =	por !p2, p0  }
0x20: {  	[sflag:s8] =	ssyncset.s32 @!p0 $0xFFFFF086;
	s6 =	sadd.s32 @!p0 s3, s7;
	s7 =	simm.s32 @!p0 $0x108  }
0x21: {  	s3 =	sadd.s32 s3, s9;
	s6 =	sadd.s32 @!p0 $0x88, s6;
	s7 =	simm.s32 @p2 $0x1082  }
0x22: {  	[simem:s7], [sflag:s8] =	dma.local @!p0 [hbm:s6], $0xF7A  }
0x23: {  	s9 =	sor.u32 $0xD0000000, s2;
	s6 =	simm.s32 $0x108;
	_ =	swait.ge @!p0 [sflag:s8], $0x0  }
0x24: {  	s3 =	sadd.s32 $0x88, s3;
	s6 =	simm.s32 @!p1 $0x1082;
	[sflag:s4] =	ssyncset.s32 $0xFFFFF086  }
0x25: {  	[simem:s6], [sflag:s4] =	dma.local [hbm:s3], $0xF7A  }
0x26: {  	[smem:$0x3F9F] =	sst s1;
	(tag) =	ssettag s2;
	_ =	strace s9  }
0x27: {  	s1 =	sld [smem:$0x3FAF]  }
0x28: {  	s2 =	sld [smem:$0x3FB0]  }
0x29: {  	s4 =	sld [smem:$0x3FB2]  }
0x2a: {  	p0 =	seq.s32 s5, $0x0;
	s5 =	sld [smem:$0x3FB3]  }
0x2b: {  	s6 =	sld [smem:$0x3FB4]  }
0x2c: {  	s7 =	sld [smem:$0x3FB5]  }
0x2d: {  	s3 =	simm.s32 $0x108;
	s8 =	sld [smem:$0x3FB6]  }
0x2e: {  	s3 =	simm.s32 @!p0 $0x1082;
	s9 =	sld [smem:$0x3FB7]  }
0x2f: {  	lr =	sadd.s32 s0, s3;
	s0 =	sld [smem:$0x3FAE]  }
0x30: {  	s3 =	sld [smem:$0x3FB1]  }
0x31: {  	[smem:$0x3FBA] =	sst s10  }
0x32: {  	s10 =	sld [smem:$0x3FB8];
	_ =	sdelay $0x3  }
0x33: {  	p0 =	seq.s32 s10, $0x1;
	s10 =	sld [smem:$0x3FBA];
	_ =	sdelay $0x3  }
0x34: {  	[smem:$0x3FBA] =	sst s10  }
0x35: {  	s10 =	sld [smem:$0x3FB9];
	_ =	sdelay $0x3  }
0x36: {  	p1 =	seq.s32 s10, $0x1;
	s10 =	sld [smem:$0x3FBA];
	_ =	sdelay $0x3  }
0x37: {  	[smem:$0x3FBA] =	sst s10  }
0x38: {  	s10 =	sld [smem:$0x3FBB]  }
0x39: {  	_ = 	snop;
	(pc) =	sbr.ind lr, $3  }
0x3a: {  	_ = 	snop  }
0x3b: {  	_ = 	snop  }
0x3c: {  	p2 =	seq.s32 s10, $0x1;
	s10 =	sld [smem:$0x3FBA]  }
0x3d: {  	_ =	shalt  }
0x3e: {  	_ =	shalt  }
0x3f: {  	_ =	shalt  }
0x40: {  	_ =	shalt  }
0x41: {  	_ =	shalt  }
0x42: {  	_ =	shalt  }
0x43: {  	_ =	shalt  }
0x44: {  	_ =	shalt  }
0x45: {  	_ =	shalt  }
0x46: {  	_ =	shalt  }
0x47: {  	_ =	shalt  }
0x48: {  	_ =	shalt  }
0x49: {  	_ =	shalt  }
0x4a: {  	_ =	shalt  }
0x4b: {  	_ =	shalt  }
0x4c: {  	_ =	shalt  }
0x4d: {  	_ =	shalt  }
0x4e: {  	_ =	shalt  }
0x4f: {  	_ =	shalt  }
0x50: {  	_ =	shalt  }
0x51: {  	_ =	shalt  }
0x52: {  	_ =	shalt  }
0x53: {  	_ =	shalt  }
0x54: {  	_ =	shalt  }
0x55: {  	_ =	shalt  }
0x56: {  	_ =	shalt  }
0x57: {  	_ =	shalt  }
0x58: {  	_ =	shalt  }
0x59: {  	_ =	shalt  }
0x5a: {  	_ =	shalt  }
0x5b: {  	_ =	shalt  }
0x5c: {  	_ =	shalt  }
0x5d: {  	_ =	shalt  }
0x5e: {  	_ =	shalt  }
0x5f: {  	_ =	shalt  }
0x60: {  	_ =	shalt  }
0x61: {  	_ =	shalt  }
0x62: {  	_ =	shalt  }
0x63: {  	_ =	shalt  }
0x64: {  	_ =	shalt  }
0x65: {  	_ =	shalt  }
0x66: {  	_ =	shalt  }
0x67: {  	_ =	shalt  }
0x68: {  	_ =	shalt  }
0x69: {  	_ =	shalt  }
0x6a: {  	_ =	shalt  }
0x6b: {  	_ =	shalt  }
0x6c: {  	_ =	shalt  }
0x6d: {  	_ =	shalt  }
0x6e: {  	_ =	shalt  }
0x6f: {  	_ =	shalt  }
0x70: {  	_ =	shalt  }
0x71: {  	_ =	shalt  }
0x72: {  	_ =	shalt  }
0x73: {  	_ =	shalt  }
0x74: {  	_ =	shalt  }
0x75: {  	_ =	shalt  }
0x76: {  	_ =	shalt  }
0x77: {  	_ =	shalt  }
0x78: {  	_ =	shalt  }
0x79: {  	_ =	shalt  }
0x7a: {  	_ =	shalt  }
0x7b: {  	_ =	shalt  }
0x7c: {  	_ =	shalt  }
0x7d: {  	_ =	shalt  }
0x7e: {  	_ =	shalt  }
0x7f: {  	_ =	shalt  }
0x80: {  	_ =	shalt  }
0x81: {  	_ =	shalt  }
0x82: {  	_ =	shalt  }
0x83: {  	_ =	shalt  }
0x84: {  	_ =	shalt  }
0x85: {  	_ =	shalt  }
0x86: {  	_ =	shalt  }
0x87: {  	_ =	shalt  }
.Lfunc_end0:
.L_simem_size_0:
called_computation.1_lowered:
.L_overlay_start_0:
0x88: {  	s2 =	sld [smem:$0x3FD9]  }
0x89: {  	s3 =	sld [smem:$0x3FFE];
	_ =	sdelay $0x1  }
0x8a: {  	s1 =	srdreg.scid  }
0x8b: {  	s0 =	sand.u32 $0x1, s1  }
0x8c: {  	s17 =	sshll.u32 s0, $0xA;
	s2 =	sadd.s32 s3, s2  }
0x8d: {  	s2 =	sadd.s32 s2, s17  }
0x8e: {  	[smem:$0x3FC6] =	sst s2  }
0x8f: {  	_ = 	snop  }
0x90: {  	s2 =	sld [smem:$0x3FD0];
	(tm) =	ssettm $0x1  }
0x91: {  	s18 =	sld [smem:$0x3FFB];
	_ =	sdelay $0x3  }
0x92: {  	_ =	strace s18  }
0x93: {  	s3 =	sld [smem:$0x3FFC];
	_ =	sdelay $0x3  }
0x94: {  	_ =	strace s3  }
0x95: {  	s3 =	sld [smem:$0x3FFD];
	_ =	sdelay $0x3  }
0x96: {  	_ =	strace s3  }
0x97: {  	_ =	strace $0x8FFFFFFF  }
0x98: {  	s19 =	sld [smem:$0x3FDB];
	_ =	sdelay $0x1  }
0x99: {  	s4 =	simm.s32 $_scs_section_size  }
0x9a: {  	s5 =	simm.s32 $_size__tile_overlayer_lowered;
	s6 =	simm.s32 $_tile_overlayer_lowered  }
0x9b: {  	s22 =	simm.s32 $0x1BFF;
	s21 =	sshll.u32 s6, $0x1;
	s3 =	sadd.s32 s4, s19  }
0x9c: {  	s7 =	simm.s32 $0x0;
	s20 =	sshll.u32 s5, $0x1;
	s5 =	sadd.s32 s21, s3  }
0x9d: {  	[timem:s7], [sflag:s22] =	dma.local [hbm:s5], s20  }
0x9e: {  	_ =	swait.ge [sflag:s22], s20  }
0x9f: {  	s4 =	ssub.s32 $0x0, s20;
	[sflag:s22] =	ssyncset.done $0x0  }
0xa0: {  	[sflag:s22] =	ssyncadd.s32 s4;
	_ =	sdelay $0x1  }
0xa1: {  	s23 =	simm.s32 $0x1B8B  }
0xa2: {  	_ =	swait.ge [sflag:s23], $0x1  }
0xa3: {  	[sflag:s23] =	ssyncset.done $0x0  }
0xa4: {  	s25 =	simm.s32 $0x1B8E;
	s24 =	sld [smem:$0x3FFE];
	[sflag:s23] =	ssyncadd.s32 $0xFFFFFFFF  }
0xa5: {  	s26 =	simm.s32 $execute0_lowered;
	[smem:$0x3FD2] =	sst s25  }
0xa6: {  	s5 =	sshll.u32 s26, $0x1;
	_ =	strace $0x80000046;
	[dreg:$0x1] =	wrdreg $0xFFFFFFFF  }
0xa7: {  	s28 =	simm.s32 $_size_execute0_lowered;
	s3 =	sadd.s32 s3, s5;
	[dreg:$0x0] =	wrdreg $0x0  }
0xa8: {  	s5 =	sshll.u32 s28, $0x1;
	[dreg:$0x2] =	wrdreg s3  }
0xa9: {  	[dreg:$0x3] =	wrdreg s5  }
0xaa: {  	[dreg:$0x4] =	wrdreg $0xC0  }
0xab: {  	_ =	task [dreg:s7], $0x5FFFF  }
0xac: {  	[dreg:$0x1] =	wrdreg $0xFFFFFFFF  }
0xad: {  	[dreg:$0x0] =	wrdreg $0x60  }
0xae: {  	[dreg:$0x2] =	wrdreg s24  }
0xaf: {  	[dreg:$0x3] =	wrdreg s2  }
0xb0: {  	[dreg:$0x4] =	wrdreg $0x9  }
0xb1: {  	_ =	task.clear_ibuf [dreg:s7], $0x5FFFF;
	_ =	strace $0x90000046  }
0xb2: {  	s29 =	simm.s32 $0x9;
	_ =	strace $0x80000048  }
0xb3: {  	_ =	swait.ge [sflag:s29], $0x1  }
0xb4: {  	[sflag:s29] =	ssyncadd.s32 $0xFFFFFFFF  }
0xb5: {  	_ =	strace $0x90000048  }
0xb6: {  	_ =	sfence  }
0xb7: {  	s30 =	sld [smem:$0x0];
	_ =	sdelay $0x2  }
0xb8: {  	s31 =	sshll.u32 s1, $0xD;
	s1 =	sshrl.u32 s1, $0x2  }
0xb9: {  	s3 =	sand.u32 $0x4000, s31;
	s1 =	sadd.s32 s1, s30  }
0xba: {  	s0 =	sor.u32 s3, s0;
	s1 =	sshll.u32 s1, $0x11  }
0xbb: {  	s0 =	sor.u32 s1, s0  }
0xbc: {  	s0 =	sadd.s32 $0x8F2B, s0  }
0xbd: {  	[sflag:s0] =	ssyncadd.remote.s32 $0x1  }
0xbe: {  	_ =	sfence.sel $0xFFFF  }
0xbf: {  	[dreg:$0x0] =	wrdreg $0xFFFFFFFF;
	(pc) =	sbr.abs _section_cstart, $3  }
0xc0: {  	[dreg:$0x1] =	wrdreg $0xFFFFFFFF  }
0xc1: {  	_ =	task.clear_ibuf [dreg:s7], $0x2FFFF;
	_ =	strace $0x9FFFFFFF  }
0xc2: {  	(tm) =	ssettm $0x7FFFFFFF  }
0xc3: {  	_ =	shalt  }
tec
execute0_lowered:
.L_overlay_start_1:
0x0: {  	(tag) =	ssettag $0x1  }
0x1: {  	s0 =	rddreg [dreg:$0x0]  }
0x2: {  	s1 =	srdreg.scid;
	s3 =	stileid.u32  }
0x3: {  	s2 =	rddreg [dreg:$0x1];
	s17 =	simm.s32 $0x68;
	s18 =	simm.s32 $0x60  }
0x4: {  	s29 =	simm.s32 $0x1;
	s20 =	simm.s32 $0x2;
	s22 =	simm.s32 $0x5  }
0x5: {  	s24 =	simm.s32 $0x6;
	s1 =	sand.u32 $0x1, s1;
	s4 =	sshll.u32 s3, $0x1  }
0x6: {  	s30 =	simm.s32 $0x4;
	s15 =	simm.s32 $0x8;
	s5 =	sor.u32 s1, s4  }
0x7: {  	s16 =	simm.s32 $0x0;
	s3 =	simm.s32 $0x0;
	s4 =	smul.u32 $0xC80, s5  }
0x8: {  	[smem:$0x7FF] =	sst s3;
	s1 =	ssub.s32 $0x2, s1;
	s6 =	smul.u32 $0x32000, s5  }
0x9: {  	_ =	strace $0x80000047;
	s26 =	sshrl.u32 s1, $0x1;
	s9 =	smul.u32 $0x190000, s5  }
0xa: {  	s5 =	sshll.u32 s5, $0x7;
	s7 =	sadd.s32 s4, s0;
	s4 =	sadd.s32 $0xF5BE00, s0  }
0xb: {  	s0 =	ssub.s32 s1, s26;
	s6 =	sadd.s32 s2, s6;
	s31 =	sshrl.u32 s9, $0x3  }
0xc: {  	s26 =	simm.s32 $0x6400;
	s28 =	sadd.s32 $0xF42E00, s7;
	s8 =	sadd.s32 $0x640, s6  }
0xd: {  	s9 =	sadd.s32 $0xC80, s6;
	s10 =	sadd.s32 $0x12C0, s6;
	s1 =	sadd.s32 s2, s31  }
0xe: {  	s0 =	smax.u32 s0, $0x1;
	s7 =	simm.s32 $0x7;
	[dreg:$0x3] =	wrdreg s28  }
0xf: {  	s11 =	sadd.s32 $0x30700, s1;
	s12 =	sadd.s32 $0x30D40, s1;
	s13 =	sadd.s32 $0x31380, s1  }
0x10: {  	s14 =	sadd.s32 $0x319C0, s1;
	[dreg:$0x4] =	wrdreg s0;
	s1 =	simm.s32 $0x3  }
.LBB2_1:
0x11: {  	[dreg:$0x5] =	wrdreg s16  }
0x12: {  	s0 =	rddreg [dreg:$0x3];
	s23 =	simm.s32 $0x9  }
0x13: {  	[tilespmem:s3], [sflag:$0x9] =	stream.linear.gather [hbm4b:s0+s3], $0x6400, $0x38;
	[tilespmem:$0x1F400] =	vst v63  }
0x14: {  	_ =	swait.ge [sflag:s23], $0x6400  }
0x15: {  	[sflag:s23] =	ssyncset.done $0x0  }
0x16: {  	[sflag:s23] =	ssyncadd.s32 $0xFFFF9C00  }
0x17: {  	[tilespmem:s26], [sflag:$0x1] =	stream.indirect.gather [hbm4b:s4+s17], $0x80, s3, s17, $0xb8;
	[tilespmem:$0x1F400] =	vst v63  }
0x18: {  	s25 =	simm.s32 $0x9800  }
0x19: {  	[tilespmem:s25], [sflag:$0x1] =	stream.indirect.gather [hbm4b:s4+s18], $0x80, s17, s18, $0xb8;
	[tilespmem:$0x1F400] =	vst v63  }
0x1a: {  	s28 =	simm.s32 $0xC8;
	s31 =	simm.s32 $0xC800  }
0x1b: {  	[tilespmem:s31], [sflag:$0x2] =	stream.indirect.gather [hbm4b:s4+s17], $0x80, s28, s17, $0xb8;
	[tilespmem:$0x1F400] =	vst v63  }
0x1c: {  	s19 =	simm.s32 $0x130;
	s21 =	simm.s32 $0xFC00  }
0x1d: {  	[tilespmem:s21], [sflag:$0x2] =	stream.indirect.gather [hbm4b:s4+s18], $0x80, s19, s18, $0xb8;
	[tilespmem:$0x1F400] =	vst v63  }
0x1e: {  	s23 =	simm.s32 $0x190;
	s25 =	simm.s32 $0x12C00  }
0x1f: {  	[tilespmem:s25], [sflag:$0x3] =	stream.indirect.gather [hbm4b:s4+s17], $0x80, s23, s17, $0xb8;
	[tilespmem:$0x1F400] =	vst v63  }
0x20: {  	s28 =	simm.s32 $0x1F8;
	s31 =	simm.s32 $0x16000  }
0x21: {  	[tilespmem:s31], [sflag:$0x3] =	stream.indirect.gather [hbm4b:s4+s18], $0x80, s28, s18, $0xb8;
	[tilespmem:$0x1F400] =	vst v63  }
0x22: {  	_ =	swait.ge [sflag:s29], $0x3400  }
0x23: {  	[sflag:s29] =	ssyncset.done $0x0  }
0x24: {  	[sflag:s29] =	ssyncadd.s32 $0xFFFFCC00  }
0x25: {  	_ =	swait.ge [sflag:s29], $0x3000  }
0x26: {  	s16 =	simm.s32 $0x8;
	s19 =	simm.s32 $0x6480;
	[sflag:s29] =	ssyncset.done $0x0  }
0x27: {  	s21 =	simm.s32 $0x6400;
	s23 =	sadd.s32 $0x0, s6;
	[sflag:s29] =	ssyncadd.s32 $0xFFFFD000  }
.LBB2_2:
0x28: {  	[hbm4b:s23+s3] =	stream.linear.scatter [tilespmem:s21], [sflag:$0x5], $0x40, $0x38;
	[tilespmem:$0x1F400] =	vst v63  }
0x29: {  	s0 =	smov.u32 s16;
	s21 =	smov.u32 s19;
	p0 =	sne.s32 s16, $0x638  }
.Ltmp0:
0x2a: {  	s16 =	sadd.s32 $0x8, s16;
	(pc) =	sbr.rel @p0 .LBB2_2-.Ltmp0, $2  }
0x2b: {  	_ =	sdelay $0x2  }
0x2c: {  	s19 =	sadd.s32 $0x80, s19;
	s23 =	sadd.s32 s0, s6  }
0x2d: {  	[hbm4b:s23+s3] =	stream.linear.scatter [tilespmem:s21], [sflag:$0x5], $0x40, $0x38;
	[tilespmem:$0x1F400] =	vst v63  }
0x2e: {  	s0 =	simm.s32 $0x258;
	s16 =	simm.s32 $0x19000  }
0x2f: {  	[tilespmem:s16], [sflag:$0x4] =	stream.indirect.gather [hbm4b:s4+s17], $0x80, s0, s17, $0xb8;
	[tilespmem:$0x1F400] =	vst v63  }
0x30: {  	s28 =	simm.s32 $0x2C0;
	s31 =	simm.s32 $0x1C400  }
0x31: {  	[tilespmem:s31], [sflag:$0x4] =	stream.indirect.gather [hbm4b:s4+s18], $0x80, s28, s18, $0xb8;
	[tilespmem:$0x1F400] =	vst v63  }
0x32: {  	_ =	swait.ge [sflag:s20], $0x3400  }
0x33: {  	[sflag:s20] =	ssyncset.done $0x0  }
0x34: {  	[sflag:s20] =	ssyncadd.s32 $0xFFFFCC00  }
0x35: {  	_ =	swait.ge [sflag:s20], $0x3000  }
0x36: {  	s19 =	simm.s32 $0x8;
	s23 =	sadd.s32 $0x0, s8;
	[sflag:s20] =	ssyncset.done $0x0  }
0x37: {  	s21 =	simm.s32 $0xC880;
	s16 =	simm.s32 $0xC800;
	[sflag:s20] =	ssyncadd.s32 $0xFFFFD000  }
.LBB2_4:
0x38: {  	[hbm4b:s23+s3] =	stream.linear.scatter [tilespmem:s16], [sflag:$0x6], $0x40, $0x38;
	[tilespmem:$0x1F400] =	vst v63  }
0x39: {  	s0 =	smov.u32 s19;
	s16 =	smov.u32 s21;
	p0 =	sne.s32 s19, $0x638  }
.Ltmp1:
0x3a: {  	s19 =	sadd.s32 $0x8, s19;
	(pc) =	sbr.rel @p0 .LBB2_4-.Ltmp1, $2  }
0x3b: {  	_ =	sdelay $0x2  }
0x3c: {  	s21 =	sadd.s32 $0x80, s21;
	s23 =	sadd.s32 s0, s8  }
0x3d: {  	[hbm4b:s23+s3] =	stream.linear.scatter [tilespmem:s16], [sflag:$0x6], $0x40, $0x38;
	[tilespmem:$0x1F400] =	vst v63  }
0x3e: {  	_ =	swait.ge [sflag:s22], $0x3200  }
0x3f: {  	[sflag:s22] =	ssyncset.done $0x0  }
0x40: {  	s0 =	simm.s32 $0x320;
	[sflag:s22] =	ssyncadd.s32 $0xFFFFCE00  }
0x41: {  	[tilespmem:s26], [sflag:$0x1] =	stream.indirect.gather [hbm4b:s4+s17], $0x80, s0, s17, $0xb8;
	[tilespmem:$0x1F400] =	vst v63  }
0x42: {  	s28 =	simm.s32 $0x9800;
	s31 =	simm.s32 $0x388  }
0x43: {  	[tilespmem:s28], [sflag:$0x1] =	stream.indirect.gather [hbm4b:s4+s18], $0x80, s31, s18, $0xb8;
	[tilespmem:$0x1F400] =	vst v63  }
0x44: {  	_ =	swait.ge [sflag:s1], $0x3400  }
0x45: {  	[sflag:s1] =	ssyncset.done $0x0  }
0x46: {  	[sflag:s1] =	ssyncadd.s32 $0xFFFFCC00  }
0x47: {  	_ =	swait.ge [sflag:s1], $0x3000  }
0x48: {  	s16 =	simm.s32 $0x12C00;
	s19 =	simm.s32 $0x8;
	[sflag:s1] =	ssyncset.done $0x0  }
0x49: {  	s23 =	sadd.s32 $0x0, s9;
	s21 =	simm.s32 $0x12C80;
	[sflag:s1] =	ssyncadd.s32 $0xFFFFD000  }
.LBB2_6:
0x4a: {  	[hbm4b:s23+s3] =	stream.linear.scatter [tilespmem:s16], [sflag:$0x7], $0x40, $0x38;
	[tilespmem:$0x1F400] =	vst v63  }
0x4b: {  	s0 =	smov.u32 s19;
	s16 =	smov.u32 s21;
	p0 =	sne.s32 s19, $0x638  }
.Ltmp2:
0x4c: {  	s19 =	sadd.s32 $0x8, s19;
	(pc) =	sbr.rel @p0 .LBB2_6-.Ltmp2, $2  }
0x4d: {  	_ =	sdelay $0x2  }
0x4e: {  	s21 =	sadd.s32 $0x80, s21;
	s23 =	sadd.s32 s0, s9  }
0x4f: {  	[hbm4b:s23+s3] =	stream.linear.scatter [tilespmem:s16], [sflag:$0x7], $0x40, $0x38;
	[tilespmem:$0x1F400] =	vst v63  }
0x50: {  	_ =	swait.ge [sflag:s24], $0x3200  }
0x51: {  	[sflag:s24] =	ssyncset.done $0x0  }
0x52: {  	s0 =	simm.s32 $0xC800;
	s25 =	simm.s32 $0x3E8;
	[sflag:s24] =	ssyncadd.s32 $0xFFFFCE00  }
0x53: {  	[tilespmem:s0], [sflag:$0x2] =	stream.indirect.gather [hbm4b:s4+s17], $0x80, s25, s17, $0xb8;
	[tilespmem:$0x1F400] =	vst v63  }
0x54: {  	s28 =	simm.s32 $0xFC00;
	s31 =	simm.s32 $0x450  }
0x55: {  	[tilespmem:s28], [sflag:$0x2] =	stream.indirect.gather [hbm4b:s4+s18], $0x80, s31, s18, $0xb8;
	[tilespmem:$0x1F400] =	vst v63  }
0x56: {  	_ =	swait.ge [sflag:s30], $0x3400  }
0x57: {  	[sflag:s30] =	ssyncset.done $0x0  }
0x58: {  	[sflag:s30] =	ssyncadd.s32 $0xFFFFCC00  }
0x59: {  	_ =	swait.ge [sflag:s30], $0x3000  }
0x5a: {  	s16 =	simm.s32 $0x19000;
	s19 =	simm.s32 $0x8;
	[sflag:s30] =	ssyncset.done $0x0  }
0x5b: {  	s23 =	sadd.s32 $0x0, s10;
	s21 =	simm.s32 $0x19080;
	[sflag:s30] =	ssyncadd.s32 $0xFFFFD000  }
.LBB2_8:
0x5c: {  	[hbm4b:s23+s3] =	stream.linear.scatter [tilespmem:s16], [sflag:$0x8], $0x40, $0x38;
	[tilespmem:$0x1F400] =	vst v63  }
0x5d: {  	s0 =	smov.u32 s19;
	s16 =	smov.u32 s21;
	p0 =	sne.s32 s19, $0x638  }
.Ltmp3:
0x5e: {  	s19 =	sadd.s32 $0x8, s19;
	(pc) =	sbr.rel @p0 .LBB2_8-.Ltmp3, $2  }
0x5f: {  	_ =	sdelay $0x2  }
0x60: {  	s21 =	sadd.s32 $0x80, s21;
	s23 =	sadd.s32 s0, s10  }
0x61: {  	[hbm4b:s23+s3] =	stream.linear.scatter [tilespmem:s16], [sflag:$0x8], $0x40, $0x38;
	[tilespmem:$0x1F400] =	vst v63  }
0x62: {  	_ =	swait.ge [sflag:s7], $0x3200  }
0x63: {  	[sflag:s7] =	ssyncset.done $0x0  }
0x64: {  	s0 =	simm.s32 $0x12C00;
	s25 =	simm.s32 $0x4B0;
	[sflag:s7] =	ssyncadd.s32 $0xFFFFCE00  }
0x65: {  	[tilespmem:s0], [sflag:$0x3] =	stream.indirect.gather [hbm4b:s4+s17], $0x80, s25, s17, $0xb8;
	[tilespmem:$0x1F400] =	vst v63  }
0x66: {  	s28 =	simm.s32 $0x16000;
	s31 =	simm.s32 $0x518;
	s16 =	simm.s32 $0x1  }
0x67: {  	[tilespmem:s28], [sflag:$0x3] =	stream.indirect.gather [hbm4b:s4+s18], $0x80, s31, s18, $0xb8;
	[tilespmem:$0x1F400] =	vst v63  }
.LBB2_10:
0x68: {  	_ =	swait.ge [sflag:s29], $0x3400;
	s21 =	sshll.u32 s16, $0x2  }
0x69: {  	[sflag:s29] =	ssyncset.done $0x0;
	s0 =	sadd.s32 s5, s21  }
0x6a: {  	[sflag:s29] =	ssyncadd.s32 $0xFFFFCC00;
	s0 =	smul.u32 $0x640, s0  }
0x6b: {  	s23 =	simm.s32 $0x6400;
	_ =	swait.ge [sflag:s29], $0x3000  }
0x6c: {  	s25 =	simm.s32 $0x8;
	[sflag:s29] =	ssyncset.done $0x0;
	s19 =	sadd.s32 s2, s0  }
0x6d: {  	s28 =	simm.s32 $0x6480;
	[sflag:s29] =	ssyncadd.s32 $0xFFFFD000;
	s31 =	sadd.s32 $0x0, s19  }
.LBB2_11:
0x6e: {  	[hbm4b:s31+s3] =	stream.linear.scatter [tilespmem:s23], [sflag:$0x5], $0x40, $0x38;
	[tilespmem:$0x1F400] =	vst v63  }
0x6f: {  	s0 =	smov.u32 s25;
	s23 =	smov.u32 s28;
	p0 =	sne.s32 s25, $0x638  }
.Ltmp4:
0x70: {  	s25 =	sadd.s32 $0x8, s25;
	(pc) =	sbr.rel @p0 .LBB2_11-.Ltmp4, $2  }
0x71: {  	_ =	sdelay $0x2  }
0x72: {  	s28 =	sadd.s32 $0x80, s28;
	s31 =	sadd.s32 s0, s19  }
0x73: {  	[hbm4b:s31+s3] =	stream.linear.scatter [tilespmem:s23], [sflag:$0x5], $0x40, $0x38;
	[tilespmem:$0x1F400] =	vst v63  }
0x74: {  	s19 =	sor.u32 $0x3, s21  }
0x75: {  	_ =	swait.ge [sflag:s15], $0x3200;
	s0 =	smul.u32 $0x320, s19  }
0x76: {  	[sflag:s15] =	ssyncset.done $0x0  }
0x77: {  	s25 =	simm.s32 $0x19000;
	[sflag:s15] =	ssyncadd.s32 $0xFFFFCE00;
	s0 =	sshra.s32 s0, $0x2  }
0x78: {  	[tilespmem:s25], [sflag:$0x4] =	stream.indirect.gather [hbm4b:s4+s17], $0x80, s0, s17, $0xb8;
	[tilespmem:$0x1F400] =	vst v63  }
0x79: {  	s0 =	sadd.s32 $0x68, s0;
	s25 =	simm.s32 $0x1C400  }
0x7a: {  	[tilespmem:s25], [sflag:$0x4] =	stream.indirect.gather [hbm4b:s4+s18], $0x80, s0, s18, $0xb8;
	[tilespmem:$0x1F400] =	vst v63  }
0x7b: {  	s25 =	sadd.s32 s21, s5;
	_ =	swait.ge [sflag:s20], $0x3400  }
0x7c: {  	s0 =	smul.u32 $0x640, s25;
	[sflag:s20] =	ssyncset.done $0x0  }
0x7d: {  	[sflag:s20] =	ssyncadd.s32 $0xFFFFCC00  }
0x7e: {  	s28 =	simm.s32 $0x8;
	s23 =	sadd.s32 s2, s0;
	_ =	swait.ge [sflag:s20], $0x3000  }
0x7f: {  	s31 =	simm.s32 $0xC880;
	s21 =	sadd.s32 $0x640, s23;
	[sflag:s20] =	ssyncset.done $0x0  }
0x80: {  	s25 =	simm.s32 $0xC800;
	s0 =	sadd.s32 $0x0, s21;
	[sflag:s20] =	ssyncadd.s32 $0xFFFFD000  }
.LBB2_13:
0x81: {  	[hbm4b:s0+s3] =	stream.linear.scatter [tilespmem:s25], [sflag:$0x6], $0x40, $0x38;
	[tilespmem:$0x1F400] =	vst v63  }
0x82: {  	s0 =	smov.u32 s28;
	s25 =	smov.u32 s31;
	p0 =	sne.s32 s28, $0x638  }
.Ltmp5:
0x83: {  	s28 =	sadd.s32 $0x8, s28;
	(pc) =	sbr.rel @p0 .LBB2_13-.Ltmp5, $2  }
0x84: {  	_ =	sdelay $0x2  }
0x85: {  	s31 =	sadd.s32 $0x80, s31;
	s0 =	sadd.s32 s0, s21  }
0x86: {  	[hbm4b:s0+s3] =	stream.linear.scatter [tilespmem:s25], [sflag:$0x6], $0x40, $0x38;
	[tilespmem:$0x1F400] =	vst v63  }
0x87: {  	s25 =	smul.u32 $0xC80, s16  }
0x88: {  	_ =	swait.ge [sflag:s22], $0x3200  }
0x89: {  	[sflag:s22] =	ssyncset.done $0x0;
	s21 =	sshra.s32 s25, $0x2  }
0x8a: {  	[sflag:s22] =	ssyncadd.s32 $0xFFFFCE00;
	s0 =	sadd.s32 $0x320, s21  }
0x8b: {  	[tilespmem:s26], [sflag:$0x1] =	stream.indirect.gather [hbm4b:s4+s17], $0x80, s0, s17, $0xb8;
	[tilespmem:$0x1F400] =	vst v63  }
0x8c: {  	s25 =	simm.s32 $0x9800;
	s0 =	sadd.s32 $0x388, s21  }
0x8d: {  	[tilespmem:s25], [sflag:$0x1] =	stream.indirect.gather [hbm4b:s4+s18], $0x80, s0, s18, $0xb8;
	[tilespmem:$0x1F400] =	vst v63  }
0x8e: {  	_ =	swait.ge [sflag:s1], $0x3400  }
0x8f: {  	[sflag:s1] =	ssyncset.done $0x0  }
0x90: {  	[sflag:s1] =	ssyncadd.s32 $0xFFFFCC00  }
0x91: {  	s23 =	sadd.s32 $0xC80, s23;
	_ =	swait.ge [sflag:s1], $0x3000  }
0x92: {  	s28 =	simm.s32 $0x8;
	s31 =	simm.s32 $0x12C80;
	[sflag:s1] =	ssyncset.done $0x0  }
0x93: {  	s25 =	simm.s32 $0x12C00;
	s0 =	sadd.s32 $0x0, s23;
	[sflag:s1] =	ssyncadd.s32 $0xFFFFD000  }
.LBB2_15:
0x94: {  	[hbm4b:s0+s3] =	stream.linear.scatter [tilespmem:s25], [sflag:$0x7], $0x40, $0x38;
	[tilespmem:$0x1F400] =	vst v63  }
0x95: {  	s0 =	smov.u32 s28;
	s25 =	smov.u32 s31;
	p0 =	sne.s32 s28, $0x638  }
.Ltmp6:
0x96: {  	s28 =	sadd.s32 $0x8, s28;
	(pc) =	sbr.rel @p0 .LBB2_15-.Ltmp6, $2  }
0x97: {  	_ =	sdelay $0x2  }
0x98: {  	s31 =	sadd.s32 $0x80, s31;
	s0 =	sadd.s32 s0, s23  }
0x99: {  	[hbm4b:s0+s3] =	stream.linear.scatter [tilespmem:s25], [sflag:$0x7], $0x40, $0x38;
	[tilespmem:$0x1F400] =	vst v63  }
0x9a: {  	_ =	swait.ge [sflag:s24], $0x3200  }
0x9b: {  	[sflag:s24] =	ssyncset.done $0x0  }
0x9c: {  	s31 =	sadd.s32 $0x3E8, s21;
	s23 =	simm.s32 $0xC800;
	[sflag:s24] =	ssyncadd.s32 $0xFFFFCE00  }
0x9d: {  	[tilespmem:s23], [sflag:$0x2] =	stream.indirect.gather [hbm4b:s4+s17], $0x80, s31, s17, $0xb8;
	[tilespmem:$0x1F400] =	vst v63  }
0x9e: {  	s25 =	simm.s32 $0xFC00;
	s23 =	sadd.s32 $0x450, s21  }
0x9f: {  	[tilespmem:s25], [sflag:$0x2] =	stream.indirect.gather [hbm4b:s4+s18], $0x80, s23, s18, $0xb8;
	[tilespmem:$0x1F400] =	vst v63  }
0xa0: {  	_ =	swait.ge [sflag:s30], $0x3400  }
0xa1: {  	s31 =	sadd.s32 s5, s19;
	[sflag:s30] =	ssyncset.done $0x0  }
0xa2: {  	s0 =	smul.u32 $0x640, s31;
	[sflag:s30] =	ssyncadd.s32 $0xFFFFCC00  }
0xa3: {  	s28 =	simm.s32 $0x19080;
	_ =	swait.ge [sflag:s30], $0x3000  }
0xa4: {  	s23 =	simm.s32 $0x19000;
	s19 =	sadd.s32 s2, s0;
	[sflag:s30] =	ssyncset.done $0x0  }
0xa5: {  	s25 =	simm.s32 $0x8;
	s0 =	sadd.s32 $0x0, s19;
	[sflag:s30] =	ssyncadd.s32 $0xFFFFD000  }
.LBB2_17:
0xa6: {  	[hbm4b:s0+s3] =	stream.linear.scatter [tilespmem:s23], [sflag:$0x8], $0x40, $0x38;
	[tilespmem:$0x1F400] =	vst v63  }
0xa7: {  	s0 =	smov.u32 s25;
	s23 =	smov.u32 s28;
	p0 =	sne.s32 s25, $0x638  }
.Ltmp7:
0xa8: {  	s25 =	sadd.s32 $0x8, s25;
	(pc) =	sbr.rel @p0 .LBB2_17-.Ltmp7, $2  }
0xa9: {  	_ =	sdelay $0x2  }
0xaa: {  	s28 =	sadd.s32 $0x80, s28;
	s0 =	sadd.s32 s0, s19  }
0xab: {  	[hbm4b:s0+s3] =	stream.linear.scatter [tilespmem:s23], [sflag:$0x8], $0x40, $0x38;
	[tilespmem:$0x1F400] =	vst v63  }
0xac: {  	s16 =	sadd.s32 $0x1, s16  }
0xad: {  	_ =	swait.ge [sflag:s7], $0x3200;
	p0 =	sne.s32 s16, $0x1F  }
.Ltmp8:
0xae: {  	[sflag:s7] =	ssyncset.done $0x0;
	(pc) =	sbr.rel @p0 .LBB2_10-.Ltmp8, $4  }
0xaf: {  	s25 =	sadd.s32 $0x4B0, s21;
	s19 =	simm.s32 $0x12C00;
	[sflag:s7] =	ssyncadd.s32 $0xFFFFCE00  }
0xb0: {  	[tilespmem:s19], [sflag:$0x3] =	stream.indirect.gather [hbm4b:s4+s17], $0x80, s25, s17, $0xb8;
	[tilespmem:$0x1F400] =	vst v63  }
0xb1: {  	s28 =	sadd.s32 $0x518, s21;
	s31 =	simm.s32 $0x16000  }
0xb2: {  	[tilespmem:s31], [sflag:$0x3] =	stream.indirect.gather [hbm4b:s4+s18], $0x80, s28, s18, $0xb8;
	[tilespmem:$0x1F400] =	vst v63  }
0xb3: {  	_ =	swait.ge [sflag:s29], $0x3400  }
0xb4: {  	[sflag:s29] =	ssyncset.done $0x0  }
0xb5: {  	[sflag:s29] =	ssyncadd.s32 $0xFFFFCC00  }
0xb6: {  	_ =	swait.ge [sflag:s29], $0x3000  }
0xb7: {  	s16 =	simm.s32 $0x6400;
	s19 =	simm.s32 $0x8;
	[sflag:s29] =	ssyncset.done $0x0  }
0xb8: {  	s0 =	sadd.s32 $0x0, s11;
	s21 =	simm.s32 $0x6480;
	[sflag:s29] =	ssyncadd.s32 $0xFFFFD000  }
.LBB2_20:
0xb9: {  	[hbm4b:s0+s3] =	stream.linear.scatter [tilespmem:s16], [sflag:$0x5], $0x40, $0x38;
	[tilespmem:$0x1F400] =	vst v63  }
0xba: {  	s0 =	smov.u32 s19;
	s16 =	smov.u32 s21;
	p0 =	sne.s32 s19, $0x638  }
.Ltmp9:
0xbb: {  	s19 =	sadd.s32 $0x8, s19;
	(pc) =	sbr.rel @p0 .LBB2_20-.Ltmp9, $2  }
0xbc: {  	_ =	sdelay $0x2  }
0xbd: {  	s21 =	sadd.s32 $0x80, s21;
	s0 =	sadd.s32 s0, s11  }
0xbe: {  	[hbm4b:s0+s3] =	stream.linear.scatter [tilespmem:s16], [sflag:$0x5], $0x40, $0x38;
	[tilespmem:$0x1F400] =	vst v63  }
0xbf: {  	_ =	swait.ge [sflag:s15], $0x3200  }
0xc0: {  	[sflag:s15] =	ssyncset.done $0x0  }
0xc1: {  	s23 =	simm.s32 $0x19000;
	s25 =	simm.s32 $0x6338;
	[sflag:s15] =	ssyncadd.s32 $0xFFFFCE00  }
0xc2: {  	[tilespmem:s23], [sflag:$0x4] =	stream.indirect.gather [hbm4b:s4+s17], $0x80, s25, s17, $0xb8;
	[tilespmem:$0x1F400] =	vst v63  }
0xc3: {  	s28 =	simm.s32 $0x1C400;
	s31 =	simm.s32 $0x63A0  }
0xc4: {  	[tilespmem:s28], [sflag:$0x4] =	stream.indirect.gather [hbm4b:s4+s18], $0x80, s31, s18, $0xb8;
	[tilespmem:$0x1F400] =	vst v63  }
0xc5: {  	_ =	swait.ge [sflag:s20], $0x3400  }
0xc6: {  	[sflag:s20] =	ssyncset.done $0x0  }
0xc7: {  	[sflag:s20] =	ssyncadd.s32 $0xFFFFCC00  }
0xc8: {  	_ =	swait.ge [sflag:s20], $0x3000  }
0xc9: {  	s16 =	simm.s32 $0xC800;
	s19 =	simm.s32 $0x8;
	[sflag:s20] =	ssyncset.done $0x0  }
0xca: {  	s0 =	sadd.s32 $0x0, s12;
	s21 =	simm.s32 $0xC880;
	[sflag:s20] =	ssyncadd.s32 $0xFFFFD000  }
.LBB2_22:
0xcb: {  	[hbm4b:s0+s3] =	stream.linear.scatter [tilespmem:s16], [sflag:$0x6], $0x40, $0x38;
	[tilespmem:$0x1F400] =	vst v63  }
0xcc: {  	s0 =	smov.u32 s19;
	s16 =	smov.u32 s21;
	p0 =	sne.s32 s19, $0x638  }
.Ltmp10:
0xcd: {  	s19 =	sadd.s32 $0x8, s19;
	(pc) =	sbr.rel @p0 .LBB2_22-.Ltmp10, $2  }
0xce: {  	_ =	sdelay $0x2  }
0xcf: {  	s21 =	sadd.s32 $0x80, s21;
	s0 =	sadd.s32 s0, s12  }
0xd0: {  	[hbm4b:s0+s3] =	stream.linear.scatter [tilespmem:s16], [sflag:$0x6], $0x40, $0x38;
	[tilespmem:$0x1F400] =	vst v63  }
0xd1: {  	_ =	swait.ge [sflag:s22], $0x3200  }
0xd2: {  	[sflag:s22] =	ssyncset.done $0x0  }
0xd3: {  	[sflag:s22] =	ssyncadd.s32 $0xFFFFCE00  }
0xd4: {  	_ =	swait.ge [sflag:s1], $0x3400  }
0xd5: {  	[sflag:s1] =	ssyncset.done $0x0  }
0xd6: {  	[sflag:s1] =	ssyncadd.s32 $0xFFFFCC00  }
0xd7: {  	_ =	swait.ge [sflag:s1], $0x3000  }
0xd8: {  	s16 =	simm.s32 $0x12C00;
	s19 =	simm.s32 $0x8;
	[sflag:s1] =	ssyncset.done $0x0  }
0xd9: {  	s0 =	sadd.s32 $0x0, s13;
	s21 =	simm.s32 $0x12C80;
	[sflag:s1] =	ssyncadd.s32 $0xFFFFD000  }
.LBB2_24:
0xda: {  	[hbm4b:s0+s3] =	stream.linear.scatter [tilespmem:s16], [sflag:$0x7], $0x40, $0x38;
	[tilespmem:$0x1F400] =	vst v63  }
0xdb: {  	s0 =	smov.u32 s19;
	s16 =	smov.u32 s21;
	p0 =	sne.s32 s19, $0x638  }
.Ltmp11:
0xdc: {  	s19 =	sadd.s32 $0x8, s19;
	(pc) =	sbr.rel @p0 .LBB2_24-.Ltmp11, $2  }
0xdd: {  	_ =	sdelay $0x2  }
0xde: {  	s21 =	sadd.s32 $0x80, s21;
	s0 =	sadd.s32 s0, s13  }
0xdf: {  	[hbm4b:s0+s3] =	stream.linear.scatter [tilespmem:s16], [sflag:$0x7], $0x40, $0x38;
	[tilespmem:$0x1F400] =	vst v63  }
0xe0: {  	_ =	swait.ge [sflag:s24], $0x3200  }
0xe1: {  	[sflag:s24] =	ssyncset.done $0x0  }
0xe2: {  	[sflag:s24] =	ssyncadd.s32 $0xFFFFCE00  }
0xe3: {  	_ =	swait.ge [sflag:s30], $0x3400  }
0xe4: {  	[sflag:s30] =	ssyncset.done $0x0  }
0xe5: {  	[sflag:s30] =	ssyncadd.s32 $0xFFFFCC00  }
0xe6: {  	_ =	swait.ge [sflag:s30], $0x3000  }
0xe7: {  	s16 =	simm.s32 $0x19000;
	s19 =	simm.s32 $0x8;
	[sflag:s30] =	ssyncset.done $0x0  }
0xe8: {  	s0 =	sadd.s32 $0x0, s14;
	s21 =	simm.s32 $0x19080;
	[sflag:s30] =	ssyncadd.s32 $0xFFFFD000  }
.LBB2_26:
0xe9: {  	[hbm4b:s0+s3] =	stream.linear.scatter [tilespmem:s16], [sflag:$0x8], $0x40, $0x38;
	[tilespmem:$0x1F400] =	vst v63  }
0xea: {  	s0 =	smov.u32 s19;
	s16 =	smov.u32 s21;
	p0 =	sne.s32 s19, $0x638  }
.Ltmp12:
0xeb: {  	s19 =	sadd.s32 $0x8, s19;
	(pc) =	sbr.rel @p0 .LBB2_26-.Ltmp12, $2  }
0xec: {  	_ =	sdelay $0x2  }
0xed: {  	s21 =	sadd.s32 $0x80, s21;
	s0 =	sadd.s32 s0, s14  }
0xee: {  	[hbm4b:s0+s3] =	stream.linear.scatter [tilespmem:s16], [sflag:$0x8], $0x40, $0x38;
	[tilespmem:$0x1F400] =	vst v63  }
0xef: {  	_ =	swait.ge [sflag:s7], $0x3200  }
0xf0: {  	[sflag:s7] =	ssyncset.done $0x0  }
0xf1: {  	[sflag:s7] =	ssyncadd.s32 $0xFFFFCE00  }
0xf2: {  	_ =	swait.ge [sflag:s15], $0x3200  }
0xf3: {  	s28 =	rddreg [dreg:$0x5]  }
0xf4: {  	s31 =	rddreg [dreg:$0x4];
	s16 =	sadd.s32 $0x1, s28  }
0xf5: {  	p0 =	sne.s32 s16, s31  }
.Ltmp13:
0xf6: {  	_ = 	snop;
	(pc) =	sbr.rel @p0 .LBB2_1-.Ltmp13, $3  }
0xf7: {  	_ =	sdelay $0x1  }
0xf8: {  	[sflag:s15] =	ssyncset.done $0x0  }
0xf9: {  	[sflag:s15] =	ssyncadd.s32 $0xFFFFCE00  }
0xfa: {  	_ =	sfence.sel $0x180000  }
0xfb: {  	[bflag:$0x0] =	sbarrier.arrive $0xFFFF  }
0xfc: {  	_ =	strace $0x90000047  }
0xfd: {  	s0 =	stileid.u32;
	[bflag:$0x2] =	sbarrier.arrive $0xFFFF  }
0xfe: {  	p0 =	sne.s32 s0, $0x0;
	s0 =	rddreg [dreg:$0x2]  }
0xff: {  	s0 =	sadd.s32 @!p0 $0x100000, s0  }
0x100: {  	[sflag:s0] =	ssyncadd.tile.s32 @!p0 $0x1;
	_ =	shalt  }
.Lfunc_end2:
_tile_overlayer_lowered:
.L_overlay_start_2:
0x101: {  	(tag) =	ssettag $0x2  }
0x102: {  	s0 =	rddreg [dreg:$0x0];
	s2 =	stileid.u32  }
0x103: {  	s1 =	rddreg [dreg:$0x1];
	p0 =	sne.s32 s2, $0x0  }
0x104: {  	s3 =	rddreg [dreg:$0x2];
	[bflag:$0x3] =	sbarrier.arrive $0xFFFF;
	s2 =	simm.s32 @!p0 $0x1C09  }
0x105: {  	[timem:s3], [sflag:s2] =	dma.local @!p0 [hbm:s0], s1  }
0x106: {  	s0 =	simm.s32 @!p0 $0x9  }
0x107: {  	_ =	swait.ge @!p0 [sflag:s0], s1  }
0x108: {  	s1 =	ssub.s32 @!p0 $0x0, s1;
	[sflag:s0] =	ssyncset.done @!p0 $0x0  }
0x109: {  	[sflag:s0] =	ssyncadd.s32 @!p0 s1  }
0x10a: {  	[bflag:$0x3] =	sbarrier.arrive $0xFFFF  }
0x10b: {  	_ =	shalt  }

// kernel: sparse-core-data-format-call.cloned.1.call-start
scs
called_computation_lowered:
.L_overlay_start_0:
0x0: {  	s2 =	sld [smem:$0x3FD9]  }
0x1: {  	s3 =	sld [smem:$0x3FFE];
	_ =	sdelay $0x1  }
0x2: {  	s1 =	srdreg.scid  }
0x3: {  	s0 =	sand.u32 $0x1, s1  }
0x4: {  	s18 =	sshll.u32 s0, $0xA;
	s2 =	sadd.s32 s3, s2  }
0x5: {  	s2 =	sadd.s32 s2, s18  }
0x6: {  	[smem:$0x3FC6] =	sst s2  }
0x7: {  	_ = 	snop  }
0x8: {  	s2 =	sld [smem:$0x3FD0];
	(tm) =	ssettm $0x1  }
0x9: {  	s19 =	sld [smem:$0x3FFB];
	_ =	sdelay $0x3  }
0xa: {  	_ =	strace s19  }
0xb: {  	s3 =	sld [smem:$0x3FFC];
	_ =	sdelay $0x3  }
0xc: {  	_ =	strace s3  }
0xd: {  	s3 =	sld [smem:$0x3FFD];
	_ =	sdelay $0x3  }
0xe: {  	_ =	strace s3  }
0xf: {  	_ =	strace $0x8FFFFFFF  }
0x10: {  	s20 =	sld [smem:$0x3FDB];
	_ =	sdelay $0x1  }
0x11: {  	s4 =	simm.s32 $_scs_section_size  }
0x12: {  	s5 =	simm.s32 $_size__tile_overlayer_lowered;
	s6 =	simm.s32 $_tile_overlayer_lowered  }
0x13: {  	s23 =	simm.s32 $0x1BFF;
	s22 =	sshll.u32 s6, $0x1;
	s3 =	sadd.s32 s4, s20  }
0x14: {  	s7 =	simm.s32 $0x0;
	s21 =	sshll.u32 s5, $0x1;
	s5 =	sadd.s32 s22, s3  }
0x15: {  	[timem:s7], [sflag:s23] =	dma.local [hbm:s5], s21  }
0x16: {  	_ =	swait.ge [sflag:s23], s21  }
0x17: {  	s4 =	ssub.s32 $0x0, s21;
	[sflag:s23] =	ssyncset.done $0x0  }
0x18: {  	[sflag:s23] =	ssyncadd.s32 s4;
	_ =	sdelay $0x1  }
0x19: {  	s24 =	simm.s32 $0x1B8B  }
0x1a: {  	_ =	swait.ge [sflag:s24], $0x1  }
0x1b: {  	[sflag:s24] =	ssyncset.done $0x0  }
0x1c: {  	s26 =	simm.s32 $0x1B8E;
	s25 =	sld [smem:$0x3FFE];
	[sflag:s24] =	ssyncadd.s32 $0xFFFFFFFF  }
0x1d: {  	s27 =	simm.s32 $execute0_lowered;
	[smem:$0x3FD2] =	sst s26  }
0x1e: {  	s5 =	sshll.u32 s27, $0x1;
	_ =	strace $0x80000049;
	[dreg:$0x1] =	wrdreg $0xFFFFFFFF  }
0x1f: {  	s28 =	simm.s32 $_size_execute0_lowered;
	s3 =	sadd.s32 s3, s5;
	[dreg:$0x0] =	wrdreg $0x0  }
0x20: {  	s5 =	sshll.u32 s28, $0x1;
	[dreg:$0x2] =	wrdreg s3  }
0x21: {  	[dreg:$0x3] =	wrdreg s5  }
0x22: {  	[dreg:$0x4] =	wrdreg $0xC0  }
0x23: {  	_ =	task [dreg:s7], $0x5FFFF  }
0x24: {  	[dreg:$0x1] =	wrdreg $0xFFFFFFFF  }
0x25: {  	[dreg:$0x0] =	wrdreg $0x60  }
0x26: {  	[dreg:$0x2] =	wrdreg s25  }
0x27: {  	[dreg:$0x3] =	wrdreg s2  }
0x28: {  	[dreg:$0x4] =	wrdreg $0x9  }
0x29: {  	_ =	task.clear_ibuf [dreg:s7], $0x5FFFF;
	_ =	strace $0x90000049  }
0x2a: {  	s29 =	simm.s32 $0x9;
	_ =	strace $0x8000004B  }
0x2b: {  	_ =	swait.ge [sflag:s29], $0x1  }
0x2c: {  	[sflag:s29] =	ssyncadd.s32 $0xFFFFFFFF  }
0x2d: {  	_ =	strace $0x9000004B  }
0x2e: {  	_ =	sfence  }
0x2f: {  	s30 =	sld [smem:$0x0];
	_ =	sdelay $0x2  }
0x30: {  	s31 =	sshll.u32 s1, $0xD;
	s1 =	sshrl.u32 s1, $0x2  }
0x31: {  	s3 =	sand.u32 $0x4000, s31;
	s1 =	sadd.s32 s1, s30  }
0x32: {  	s0 =	sor.u32 s3, s0;
	s1 =	sshll.u32 s1, $0x11  }
0x33: {  	s0 =	sor.u32 s1, s0  }
0x34: {  	s0 =	sadd.s32 $0x8F2B, s0  }
0x35: {  	[sflag:s0] =	ssyncadd.remote.s32 $0x1  }
0x36: {  	_ =	sfence.sel $0xFFFF  }
0x37: {  	[dreg:$0x0] =	wrdreg $0xFFFFFFFF;
	(pc) =	sbr.abs _section_cstart, $3  }
0x38: {  	[dreg:$0x1] =	wrdreg $0xFFFFFFFF  }
0x39: {  	_ =	task.clear_ibuf [dreg:s7], $0x2FFFF;
	_ =	strace $0x9FFFFFFF  }
0x3a: {  	(tm) =	ssettm $0x7FFFFFFF  }
0x3b: {  	_ =	shalt  }
tec
execute0_lowered:
.L_overlay_start_1:
0x0: {  	(tag) =	ssettag $0x1  }
0x1: {  	s0 =	srdreg.scid  }
0x2: {  	s1 =	sshll.u32 s0, $0x4  }
0x3: {  	s0 =	stileid.u32;
	s1 =	sand.u32 $0x10, s1  }
0x4: {  	s1 =	sor.u32 s0, s1  }
0x5: {  	s6 =	rddreg [dreg:$0x0];
	s4 =	simm.s32 $0x1;
	s2 =	sshll.u32 s1, $0x7  }
0x6: {  	s7 =	simm.s32 $0x2;
	s12 =	simm.s32 $0x0;
	s1 =	ssub.s32 $0x1000, s2  }
0x7: {  	s8 =	simm.s32 $0x8000;
	s13 =	simm.s32 $0x0;
	s3 =	sand.u32 $0xF80, s1  }
0x8: {  	s9 =	simm.s32 $0x0;
	s5 =	sshrl.u32 s1, $0xC;
	p0 =	sne.s32 s3, $0x0  }
.Ltmp0:
0x9: {  	s1 =	rddreg [dreg:$0x2];
	s4 =	simm.s32 @!p0 $0x0;
	(pc) =	sbr.rel .LBB1_1-.Ltmp0, $4  }
0xa: {  	s11 =	simm.s32 $0x0;
	s3 =	rddreg [dreg:$0x1];
	s5 =	sadd.s32 s4, s5  }
0xb: {  	_ =	strace $0x8000004A;
	s4 =	simm.s32 $0x1;
	s5 =	smul.u32 $0xC8, s5  }
0xc: {  	s6 =	sadd.s32 $0xA00, s6;
	s10 =	smov.u32 s2;
	[sflag:s4] =	ssyncpa.u1 $0x0  }
0xd: {  	p0 =	por $0x0, $0x0;
	[sflag:s7] =	ssyncpa.u1 $0x0;
	s7 =	sor.u32 $0x1, s5  }
.LBB1_4:
0xe: {  	s16 =	sshll.u32 s13, $0x3;
	s17 =	sand.u32 $0x78, s13  }
0xf: {  	s30 =	sand.u32 $0x7E00, s13;
	s12 =	sshll.u32 s12, $0xF;
	s16 =	sand.u32 $0xC00, s16  }
0x10: {  	[tilespmem:s15+$0x810 ss:$0x81] =	vst.msk $0xffff, v2;
	s31 =	sand.u32 $0x7, s13;
	s16 =	sor.u32 s17, s16;
	s17 =	sadd.s32 s3, s30  }
0x11: {  	[tilespmem:s15+$0x1020 ss:$0x81] =	vst.msk $0xffff, v0;
	s13 =	sshll.u32 s31, $0x12;
	s12 =	sadd.s32 s12, s17;
	s16 =	sshrl.u32 s16, $0x3  }
0x12: {  	[tilespmem:s15+$0x0 ss:$0x81] =	vst.msk $0xffff, v1;
	s13 =	sor.u32 $0x400, s13;
	s12 =	sadd.s32 s16, s12  }
0x13: {  	[hbm4b:s12+s13] =	stream.strided.scatter [tilespmem:s14], [sflag:$0x2], $0x2000, s8, s13, $0x20;
	[tilespmem:$0x8080] =	vst v63  }
.LBB1_5:
0x14: {  	s14 =	sadd.s32 $0x1, s9  }
0x15: {  	s12 =	sadd.s32 $0x1000, s10;
	s16 =	smov.u32 s10;
	p2 =	sgt.s32 s14, $0xC7  }
0x16: {  	s16 =	smov.u32 @p2 s12  }
0x17: {  	s14 =	simm.s32 @p2 $0x0;
	p2 =	sgt.s32 s16, $0xFFF  }
0x18: {  	s16 =	smov.u32 @p2 s2;
	p2 =	sne.s32 s11, s7  }
.Ltmp1:
0x19: {  	p1 =	slt.u32 s11, $0x2;
	(pc) =	sbr.rel @!p2 .LBB1_6-.Ltmp1, $4  }
0x1a: {  	s15 =	simm.s32 @!p1 $0x2  }
0x1b: {  	s13 =	smov.u32 s10;
	p0 =	por !p0, !p0;
	_ =	swait.ge @!p1 [sflag:s15], $0x2000  }
0x1c: {  	s12 =	smov.u32 s9;
	[sflag:s15] =	ssyncset.done @!p1 $0x0;
	s9 =	smov.u32 s14  }
0x1d: {  	s11 =	sadd.s32 $0x1, s11;
	[sflag:s15] =	ssyncadd.s32 @!p1 $0xFFFFE000;
	s10 =	smov.u32 s16  }
.LBB1_1:
0x1e: {  	p1 =	sge.u32 s11, s5  }
0x1f: {  	s14 =	sand.u32 @!p1 $0x1FFFFFF, s9  }
0x20: {  	s15 =	smulhi.u32 @!p1 $0x147AE15, s14;
	_ =	sdelay $0x1  }
0x21: {  	s15 =	smul.u32 @!p1 $0xC8, s15  }
0x22: {  	s16 =	sxor.u32 @!p1 $0xFFFFFFFF, s11;
	s17 =	smul.u32 @!p1 $0xC80, s10  }
0x23: {  	s31 =	sadd.s32 $0xFFFFFFFF, s11;
	s16 =	sshll.u32 @!p1 s16, $0xD;
	s14 =	ssub.s32 @!p1 s14, s15  }
0x24: {  	s15 =	sand.u32 @!p1 $0x2000, s16;
	s16 =	sadd.s32 @!p1 s6, s17;
	s14 =	sshll.u32 @!p1 s14, $0x4  }
0x25: {  	s17 =	simm.s32 @!p1 $0x6400;
	s14 =	sadd.s32 @!p1 s14, s16;
	s16 =	simm.s32 @!p1 $0x40  }
0x26: {  	[tilespmem:s15], [sflag:$0x1] =	stream.strided.gather @!p1 [hbm4b:s14+s16], $0x2000, s17, s16, $0x38;
	[tilespmem:$0x8080] =	vst v63  }
0x27: {  	p1 =	sge.u32 s31, s5  }
.Ltmp2:
0x28: {  	_ = 	snop;
	(pc) =	sbr.rel @p1 .LBB1_5-.Ltmp2, $1  }
0x29: {  	_ =	sdelay $0x3  }
0x2a: {  	s14 =	simm.s32 $0x1  }
0x2b: {  	_ =	swait.ge [sflag:s4], $0x2000;
	s14 =	simm.s32 @!p0 $0x0  }
0x2c: {  	[sflag:s4] =	ssyncset.done $0x0;
	s15 =	sshll.u32 s14, $0xD  }
0x2d: {  	[sflag:s4] =	ssyncadd.s32 $0xFFFFE000;
	s18 =	sor.u32 $0x20, s15  }
0x2e: {  	s14 =	smul.u32 $0x8100, s14;
	v3 =	vld [tilespmem:s18+$0x10]  }
0x2f: {  	s30 =	sand.u32 $0x1, s11;
	v2 =	vld [tilespmem:s18+$0xFFFFFFF0]  }
0x30: {  	s15 =	smul.u32 $0x8100, s30;
	s14 =	sshrl.u32 s14, $0x2;
	v0 =	vld [tilespmem:s18+$0x0]  }
0x31: {  	v1 =	vld [tilespmem:s18+$0xFFFFFFE0];
	s16 =	sor.u32 $0x4000, s14  }
0x32: {  	s31 =	sshrl.u32 s15, $0x2;
	s15 =	sadd.s32 $0x0, s16  }
0x33: {  	s17 =	simm.s32 $0x4;
	s18 =	sadd.s32 $0x40, s18;
	s14 =	sor.u32 $0x4000, s31;
	[tilespmem:s15+$0x1830 ss:$0x81] =	vst.msk $0xffff, v3  }
.LBB1_3:
0x34: {  	v3 =	vld [tilespmem:s18+$0x10];
	p1 =	sne.s32 s17, $0x1FC;
	[tilespmem:s15+$0x810 ss:$0x81] =	vst.msk $0xffff, v2;
	s19 =	smov.u32 s17;
	s17 =	sadd.s32 $0x4, s17  }
.Ltmp3:
0x35: {  	v2 =	vld [tilespmem:s18+$0xFFFFFFF0];
	[tilespmem:s15+$0x1020 ss:$0x81] =	vst.msk $0xffff, v0;
	(pc) =	sbr.rel @p1 .LBB1_3-.Ltmp3, $4  }
0x36: {  	v0 =	vld [tilespmem:s18+$0x0];
	[tilespmem:s15+$0x0 ss:$0x81] =	vst.msk $0xffff, v1  }
0x37: {  	s15 =	sshra.s32 s19, $0x2;
	v1 =	vld [tilespmem:s18+$0xFFFFFFE0]  }
0x38: {  	s15 =	sadd.s32 s15, s16  }
0x39: {  	s18 =	sadd.s32 $0x40, s18;
	[tilespmem:s15+$0x1830 ss:$0x81] =	vst.msk $0xffff, v3  }
.Ltmp4:
0x3a: {  	_ = 	snop;
	(pc) =	sbr.rel .LBB1_4-.Ltmp4, $1  }
0x3b: {  	_ =	sdelay $0x3  }
.LBB1_6:
0x3c: {  	_ =	sfence.sel $0x180000  }
0x3d: {  	s2 =	simm.s32 $0x1;
	[bflag:$0x0] =	sbarrier.arrive $0xFFFF  }
0x3e: {  	s31 =	simm.s32 $0x2;
	[sflag:s2] =	ssyncpa.u1 $0x1  }
0x3f: {  	[sflag:s31] =	ssyncpa.u1 $0x1  }
0x40: {  	p0 =	sne.s32 s0, $0x0;
	_ =	strace $0x9000004A  }
0x41: {  	s0 =	sadd.s32 @!p0 $0x100000, s1;
	[bflag:$0x2] =	sbarrier.arrive $0xFFFF  }
0x42: {  	[sflag:s0] =	ssyncadd.tile.s32 @!p0 $0x1;
	_ =	shalt  }
.Lfunc_end1:
_tile_overlayer_lowered:
.L_overlay_start_2:
0x43: {  	(tag) =	ssettag $0x2  }
0x44: {  	s0 =	rddreg [dreg:$0x0];
	s2 =	stileid.u32  }
0x45: {  	s1 =	rddreg [dreg:$0x1];
	p0 =	sne.s32 s2, $0x0  }
0x46: {  	s3 =	rddreg [dreg:$0x2];
	[bflag:$0x3] =	sbarrier.arrive $0xFFFF;
	s2 =	simm.s32 @!p0 $0x1C01  }
0x47: {  	[timem:s3], [sflag:s2] =	dma.local @!p0 [hbm:s0], s1  }
0x48: {  	s0 =	simm.s32 @!p0 $0x1  }
0x49: {  	_ =	swait.ge @!p0 [sflag:s0], s1  }
0x4a: {  	s1 =	ssub.s32 @!p0 $0x0, s1;
	[sflag:s0] =	ssyncset.done @!p0 $0x0  }
0x4b: {  	[sflag:s0] =	ssyncadd.s32 @!p0 s1  }
0x4c: {  	[bflag:$0x3] =	sbarrier.arrive $0xFFFF  }
0x4d: {  	_ =	shalt  }

</sc_bundles>
